<compile_context>
chip_gen: v7x
topology: tpu7x:2x2x1
jax: 0.10.2.dev20260603
libtpu: 0.0.44.dev20260713+nightly
codegen_flags: <defaults>
</compile_context>

<pallas_src>
import functools

import jax
import jax.numpy as jnp
from jax import lax
from jax.experimental import pallas as pl
from jax.experimental.pallas import tpu as pltpu
from jax.experimental.pallas import tpu_sc as plsc

B = 16
S = 4096
HALF = S // 2
LANES = 16
HCHUNKS = HALF // LANES
ACCS = 8


def _make_sc_kernel():
  mesh = plsc.VectorSubcoreMesh(core_axis_name="c", subcore_axis_name="s")

  @functools.partial(
      pl.kernel,
      mesh=mesh,
      out_type=jax.ShapeDtypeStruct((B, S), jnp.float32),
      scratch_types=[
          pltpu.VMEM((HALF,), jnp.float32),
          pltpu.VMEM((HALF,), jnp.float32),
          pltpu.SemaphoreType.DMA,
          pltpu.SemaphoreType.DMA,
      ],
      compiler_params=pltpu.CompilerParams(needs_layout_passes=False),
  )
  def cumsum_kernel(pad_hbm, out_hbm, buf_pre, buf, sem_pre, sem_own):
    cid = lax.axis_index("c")
    sid = lax.axis_index("s")
    wid = sid * 2 + cid
    row = wid // 2
    half = wid % 2
    own = half * HALF

    cp_pre = pltpu.async_copy(pad_hbm.at[row, pl.ds(0, HALF)], buf_pre,
                              sem_pre)
    cp_own = pltpu.async_copy(pad_hbm.at[row, pl.ds(own, HALF)], buf,
                              sem_own)
    cp_pre.wait()

    def acc_body(g, accs):
      return tuple(
          accs[k] + buf_pre[pl.ds((g * ACCS + k) * LANES, LANES)]
          for k in range(ACCS)
      )

    accs = lax.fori_loop(
        0, HCHUNKS // ACCS, acc_body,
        tuple(jnp.zeros((LANES,), jnp.float32) for _ in range(ACCS)))
    acc = accs[0]
    for k in range(1, ACCS):
      acc = acc + accs[k]
    prefix_total = jnp.sum(acc) * half.astype(jnp.float32)

    cp_own.wait()

    def scan_body(i, carry):
      base = i * LANES
      v = buf[pl.ds(base, LANES)]
      buf[pl.ds(base, LANES)] = plsc.cumsum(v) + carry
      return carry + jnp.sum(v)

    lax.fori_loop(0, HCHUNKS, scan_body, prefix_total - 1.0, unroll=16)

    pltpu.sync_copy(buf, out_hbm.at[row, pl.ds(own, HALF)])

  return cumsum_kernel


_sc_cumsum = _make_sc_kernel()


@jax.jit
def kernel(pad_masks):
  return _sc_cumsum(pad_masks)

# --- scband reference (transcript-rebuilt; emitter-appended) ---
"""Pipeline reference for scband-cumsum-position-ids-op-8504035246542 (READ-ONLY COPY).

The authoritative reference and input builder live on the scoring server;
editing this copy changes nothing except your own understanding.
"""

import jax, jax.numpy as jnp
import numpy as np


def setup_inputs(seed: int = 0) -> dict:
    key = jax.random.key(seed)
    # pad_masks: typically a 0/1 padding mask over [batch, max_seqlen].
    # Use float32 so the op is differentiable in the fwdbwd variant.
    pad_masks = jax.random.uniform(key, (16, 4096), dtype=jnp.float32)
    return {"pad_masks": pad_masks}


def reference(pad_masks):
    # torch.cumsum(pad_masks, dim=1) - 1
    return jnp.cumsum(pad_masks, axis=1) - 1

if __name__ == "__main__":
    import jax
    _d = setup_inputs()
    print(jax.jit(kernel)(*tuple(_d.values())))

</pallas_src>

<mosaic_0001>
#map = affine_map<(d0, d1) -> (0, 0)>
module attributes {stable_mosaic.version = 14 : i64} {
  func.func @cumsum_kernel(%arg0: i32, %arg1: i32, %arg2: memref<16x4096xf32, #tpu.memory_space<hbm>>, %arg3: memref<16x4096xf32, #tpu.memory_space<hbm>>, %arg4: memref<2048xf32, #tpu.memory_space<vmem>>, %arg5: memref<2048xf32, #tpu.memory_space<vmem>>, %arg6: memref<!tpu.dma_semaphore, #tpu.memory_space<semaphore_mem>>, %arg7: memref<!tpu.dma_semaphore, #tpu.memory_space<semaphore_mem>>) attributes {dimension_semantics = [#tpu.dimension_semantics<core_parallel>, #tpu.dimension_semantics<subcore_parallel>], iteration_bounds = array<i64: 2, 16>, scalar_prefetch = 0 : i64, scratch_operands = 4 : i64, tpu.core_type = #tpu.core_type<sc_vector_subcore>, window_params = [{transform_indices = #map}, {transform_indices = #map}]} {
    %mul3A = arith.constant 2 : i32
    %mul3A_0 = arith.muli %arg1, %mul3A : i32
    %add3A = arith.addi %mul3A_0, %arg0 : i32
    %jit3A = arith.constant 2 : i32
    %div3A = arith.divsi %add3A, %jit3A : i32
    %sign3A = arith.constant 0 : i32
    %sign3A_1 = arith.cmpi sgt, %add3A, %sign3A : i32
    %sign3A_2 = arith.extui %sign3A_1 : i1 to i32
    %sign3A_3 = arith.constant 0 : i32
    %sign3A_4 = arith.cmpi slt, %add3A, %sign3A_3 : i32
    %sign3A_5 = arith.extui %sign3A_4 : i1 to i32
    %sign3A_6 = arith.subi %sign3A_2, %sign3A_5 : i32
    %sign3A_7 = arith.constant 0 : i32
    %sign3A_8 = arith.cmpi sgt, %jit3A, %sign3A_7 : i32
    %sign3A_9 = arith.extui %sign3A_8 : i1 to i32
    %sign3A_10 = arith.constant 0 : i32
    %sign3A_11 = arith.cmpi slt, %jit3A, %sign3A_10 : i32
    %sign3A_12 = arith.extui %sign3A_11 : i1 to i32
    %sign3A_13 = arith.subi %sign3A_9, %sign3A_12 : i32
    %ne3A = arith.cmpi ne, %sign3A_6, %sign3A_13 : i32
    %rem3A = arith.remsi %add3A, %jit3A : i32
    %ne3A_14 = arith.constant 0 : i32
    %ne3A_15 = arith.cmpi ne, %rem3A, %ne3A_14 : i32
    %and3A = arith.andi %ne3A, %ne3A_15 : i1
    %sub3A = arith.constant 1 : i32
    %sub3A_16 = arith.subi %div3A, %sub3A : i32
    %select_n3A = arith.select %and3A, %sub3A_16, %div3A : i32
    %jit3A_17 = arith.constant 2 : i32
    %eq3A = arith.constant 0 : i32
    %eq3A_18 = arith.cmpi eq, %jit3A_17, %eq3A : i32
    %jit3A_19 = arith.constant 1 : i32
    %select_n3A_20 = arith.select %eq3A_18, %jit3A_19, %jit3A_17 : i32
    %rem3A_21 = arith.remsi %add3A, %select_n3A_20 : i32
    %ne3A_22 = arith.constant 0 : i32
    %ne3A_23 = arith.cmpi ne, %rem3A_21, %ne3A_22 : i32
    %lt3A = arith.constant 0 : i32
    %lt3A_24 = arith.cmpi slt, %rem3A_21, %lt3A : i32
    %lt3A_25 = arith.constant 0 : i32
    %lt3A_26 = arith.cmpi slt, %select_n3A_20, %lt3A_25 : i32
    %ne3A_27 = arith.xori %lt3A_24, %lt3A_26 : i1
    %and3A_28 = arith.andi %ne3A_27, %ne3A_23 : i1
    %add3A_29 = arith.addi %rem3A_21, %select_n3A_20 : i32
    %select_n3A_30 = arith.select %and3A_28, %add3A_29, %rem3A_21 : i32
    %mul3A_31 = arith.constant 2048 : i32
    %mul3A_32 = arith.muli %select_n3A_30, %mul3A_31 : i32
    %dma_start3A = arith.constant 0 : i32
    %dma_start3A_33 = tpu.memref_slice %arg2[%select_n3A, %dma_start3A] : memref<16x4096xf32, #tpu.memory_space<hbm>> -> memref<1x2048xf32, #tpu.memory_space<hbm>>
    %dma_start3A_34 = tpu.memref_squeeze %dma_start3A_33 : memref<1x2048xf32, #tpu.memory_space<hbm>> -> memref<2048xf32, #tpu.memory_space<hbm>>
    %dma_start3A_35 = arith.constant 0 : i32
    %dma_start3A_36 = tpu.memref_slice %arg2[%select_n3A, %dma_start3A_35] : memref<16x4096xf32, #tpu.memory_space<hbm>> -> memref<1x2048xf32, #tpu.memory_space<hbm>>
    %dma_start3A_37 = tpu.memref_squeeze %dma_start3A_36 : memref<1x2048xf32, #tpu.memory_space<hbm>> -> memref<2048xf32, #tpu.memory_space<hbm>>
    tpu.enqueue_dma source(%dma_start3A_37 : memref<2048xf32, #tpu.memory_space<hbm>>) target(%arg4 : memref<2048xf32, #tpu.memory_space<vmem>>) target_semaphore(%arg6 : memref<!tpu.dma_semaphore, #tpu.memory_space<semaphore_mem>>)
    %dma_start3A_38 = tpu.memref_slice %arg2[%select_n3A, %mul3A_32] : memref<16x4096xf32, #tpu.memory_space<hbm>> -> memref<1x2048xf32, #tpu.memory_space<hbm>>
    %dma_start3A_39 = tpu.memref_squeeze %dma_start3A_38 : memref<1x2048xf32, #tpu.memory_space<hbm>> -> memref<2048xf32, #tpu.memory_space<hbm>>
    %dma_start3A_40 = tpu.memref_slice %arg2[%select_n3A, %mul3A_32] : memref<16x4096xf32, #tpu.memory_space<hbm>> -> memref<1x2048xf32, #tpu.memory_space<hbm>>
    %dma_start3A_41 = tpu.memref_squeeze %dma_start3A_40 : memref<1x2048xf32, #tpu.memory_space<hbm>> -> memref<2048xf32, #tpu.memory_space<hbm>>
    tpu.enqueue_dma source(%dma_start3A_41 : memref<2048xf32, #tpu.memory_space<hbm>>) target(%arg5 : memref<2048xf32, #tpu.memory_space<vmem>>) target_semaphore(%arg7 : memref<!tpu.dma_semaphore, #tpu.memory_space<semaphore_mem>>)
    %dma_wait3A = arith.constant 0 : i32
    %dma_wait3A_42 = tpu.memref_slice %arg2[%select_n3A, %dma_wait3A] : memref<16x4096xf32, #tpu.memory_space<hbm>> -> memref<1x2048xf32, #tpu.memory_space<hbm>>
    %dma_wait3A_43 = tpu.memref_squeeze %dma_wait3A_42 : memref<1x2048xf32, #tpu.memory_space<hbm>> -> memref<2048xf32, #tpu.memory_space<hbm>>
    %dma_wait3A_44 = arith.constant 0 : i32
    %dma_wait3A_45 = tpu.memref_slice %arg2[%select_n3A, %dma_wait3A_44] : memref<16x4096xf32, #tpu.memory_space<hbm>> -> memref<1x2048xf32, #tpu.memory_space<hbm>>
    %dma_wait3A_46 = tpu.memref_squeeze %dma_wait3A_45 : memref<1x2048xf32, #tpu.memory_space<hbm>> -> memref<2048xf32, #tpu.memory_space<hbm>>
    tpu.wait_dma2 semaphore(%arg6 : memref<!tpu.dma_semaphore, #tpu.memory_space<semaphore_mem>>) src(%dma_wait3A_46 : memref<2048xf32, #tpu.memory_space<hbm>>) dst(%arg4 : memref<2048xf32, #tpu.memory_space<vmem>>)
    %broadcast_in_dim3A = arith.constant 0.000000e+00 : f32
    %broadcast_in_dim3A_47 = vector.broadcast %broadcast_in_dim3A : f32 to vector<16xf32>
    %broadcast_in_dim3A_48 = arith.constant 0.000000e+00 : f32
    %broadcast_in_dim3A_49 = vector.broadcast %broadcast_in_dim3A_48 : f32 to vector<16xf32>
    %broadcast_in_dim3A_50 = arith.constant 0.000000e+00 : f32
    %broadcast_in_dim3A_51 = vector.broadcast %broadcast_in_dim3A_50 : f32 to vector<16xf32>
    %broadcast_in_dim3A_52 = arith.constant 0.000000e+00 : f32
    %broadcast_in_dim3A_53 = vector.broadcast %broadcast_in_dim3A_52 : f32 to vector<16xf32>
    %broadcast_in_dim3A_54 = arith.constant 0.000000e+00 : f32
    %broadcast_in_dim3A_55 = vector.broadcast %broadcast_in_dim3A_54 : f32 to vector<16xf32>
    %broadcast_in_dim3A_56 = arith.constant 0.000000e+00 : f32
    %broadcast_in_dim3A_57 = vector.broadcast %broadcast_in_dim3A_56 : f32 to vector<16xf32>
    %broadcast_in_dim3A_58 = arith.constant 0.000000e+00 : f32
    %broadcast_in_dim3A_59 = vector.broadcast %broadcast_in_dim3A_58 : f32 to vector<16xf32>
    %broadcast_in_dim3A_60 = arith.constant 0.000000e+00 : f32
    %broadcast_in_dim3A_61 = vector.broadcast %broadcast_in_dim3A_60 : f32 to vector<16xf32>
    %scan3A = arith.constant 0 : i32
    %scan3A_62 = arith.constant 16 : i32
    %scan3A_63 = arith.addi %scan3A, %scan3A_62 : i32
    %scan3A_64 = arith.constant 1 : i32
    %scan3A_65:8 = scf.for %scan3A_90 = %scan3A to %scan3A_63 step %scan3A_64 iter_args(%scan3A_91 = %broadcast_in_dim3A_47, %scan3A_92 = %broadcast_in_dim3A_49, %scan3A_93 = %broadcast_in_dim3A_51, %scan3A_94 = %broadcast_in_dim3A_53, %scan3A_95 = %broadcast_in_dim3A_55, %scan3A_96 = %broadcast_in_dim3A_57, %scan3A_97 = %broadcast_in_dim3A_59, %scan3A_98 = %broadcast_in_dim3A_61) -> (vector<16xf32>, vector<16xf32>, vector<16xf32>, vector<16xf32>, vector<16xf32>, vector<16xf32>, vector<16xf32>, vector<16xf32>)  : i32 {
      %mul3A_99 = arith.constant 8 : i32
      %mul3A_100 = arith.muli %scan3A_90, %mul3A_99 : i32
      %add3A_101 = arith.constant 0 : i32
      %add3A_102 = arith.addi %mul3A_100, %add3A_101 : i32
      %mul3A_103 = arith.constant 16 : i32
      %mul3A_104 = arith.muli %add3A_102, %mul3A_103 : i32
      %get3A = arith.index_cast %mul3A_104 : i32 to index
      %get3A_105 = tpu.vector_load %arg4[%get3A] {strides = array<i32>} : memref<2048xf32, #tpu.memory_space<vmem>>, vector<16xf32>,
      %add3A_106 = arith.addf %scan3A_91, %get3A_105 : vector<16xf32>
      %mul3A_107 = arith.constant 8 : i32
      %mul3A_108 = arith.muli %scan3A_90, %mul3A_107 : i32
      %add3A_109 = arith.constant 1 : i32
      %add3A_110 = arith.addi %mul3A_108, %add3A_109 : i32
      %mul3A_111 = arith.constant 16 : i32
      %mul3A_112 = arith.muli %add3A_110, %mul3A_111 : i32
      %get3A_113 = arith.index_cast %mul3A_112 : i32 to index
      %get3A_114 = tpu.vector_load %arg4[%get3A_113] {strides = array<i32>} : memref<2048xf32, #tpu.memory_space<vmem>>, vector<16xf32>,
      %add3A_115 = arith.addf %scan3A_92, %get3A_114 : vector<16xf32>
      %mul3A_116 = arith.constant 8 : i32
      %mul3A_117 = arith.muli %scan3A_90, %mul3A_116 : i32
      %add3A_118 = arith.constant 2 : i32
      %add3A_119 = arith.addi %mul3A_117, %add3A_118 : i32
      %mul3A_120 = arith.constant 16 : i32
      %mul3A_121 = arith.muli %add3A_119, %mul3A_120 : i32
      %get3A_122 = arith.index_cast %mul3A_121 : i32 to index
      %get3A_123 = tpu.vector_load %arg4[%get3A_122] {strides = array<i32>} : memref<2048xf32, #tpu.memory_space<vmem>>, vector<16xf32>,
      %add3A_124 = arith.addf %scan3A_93, %get3A_123 : vector<16xf32>
      %mul3A_125 = arith.constant 8 : i32
      %mul3A_126 = arith.muli %scan3A_90, %mul3A_125 : i32
      %add3A_127 = arith.constant 3 : i32
      %add3A_128 = arith.addi %mul3A_126, %add3A_127 : i32
      %mul3A_129 = arith.constant 16 : i32
      %mul3A_130 = arith.muli %add3A_128, %mul3A_129 : i32
      %get3A_131 = arith.index_cast %mul3A_130 : i32 to index
      %get3A_132 = tpu.vector_load %arg4[%get3A_131] {strides = array<i32>} : memref<2048xf32, #tpu.memory_space<vmem>>, vector<16xf32>,
      %add3A_133 = arith.addf %scan3A_94, %get3A_132 : vector<16xf32>
      %mul3A_134 = arith.constant 8 : i32
      %mul3A_135 = arith.muli %scan3A_90, %mul3A_134 : i32
      %add3A_136 = arith.constant 4 : i32
      %add3A_137 = arith.addi %mul3A_135, %add3A_136 : i32
      %mul3A_138 = arith.constant 16 : i32
      %mul3A_139 = arith.muli %add3A_137, %mul3A_138 : i32
      %get3A_140 = arith.index_cast %mul3A_139 : i32 to index
      %get3A_141 = tpu.vector_load %arg4[%get3A_140] {strides = array<i32>} : memref<2048xf32, #tpu.memory_space<vmem>>, vector<16xf32>,
      %add3A_142 = arith.addf %scan3A_95, %get3A_141 : vector<16xf32>
      %mul3A_143 = arith.constant 8 : i32
      %mul3A_144 = arith.muli %scan3A_90, %mul3A_143 : i32
      %add3A_145 = arith.constant 5 : i32
      %add3A_146 = arith.addi %mul3A_144, %add3A_145 : i32
      %mul3A_147 = arith.constant 16 : i32
      %mul3A_148 = arith.muli %add3A_146, %mul3A_147 : i32
      %get3A_149 = arith.index_cast %mul3A_148 : i32 to index
      %get3A_150 = tpu.vector_load %arg4[%get3A_149] {strides = array<i32>} : memref<2048xf32, #tpu.memory_space<vmem>>, vector<16xf32>,
      %add3A_151 = arith.addf %scan3A_96, %get3A_150 : vector<16xf32>
      %mul3A_152 = arith.constant 8 : i32
      %mul3A_153 = arith.muli %scan3A_90, %mul3A_152 : i32
      %add3A_154 = arith.constant 6 : i32
      %add3A_155 = arith.addi %mul3A_153, %add3A_154 : i32
      %mul3A_156 = arith.constant 16 : i32
      %mul3A_157 = arith.muli %add3A_155, %mul3A_156 : i32
      %get3A_158 = arith.index_cast %mul3A_157 : i32 to index
      %get3A_159 = tpu.vector_load %arg4[%get3A_158] {strides = array<i32>} : memref<2048xf32, #tpu.memory_space<vmem>>, vector<16xf32>,
      %add3A_160 = arith.addf %scan3A_97, %get3A_159 : vector<16xf32>
      %mul3A_161 = arith.constant 8 : i32
      %mul3A_162 = arith.muli %scan3A_90, %mul3A_161 : i32
      %add3A_163 = arith.constant 7 : i32
      %add3A_164 = arith.addi %mul3A_162, %add3A_163 : i32
      %mul3A_165 = arith.constant 16 : i32
      %mul3A_166 = arith.muli %add3A_164, %mul3A_165 : i32
      %get3A_167 = arith.index_cast %mul3A_166 : i32 to index
      %get3A_168 = tpu.vector_load %arg4[%get3A_167] {strides = array<i32>} : memref<2048xf32, #tpu.memory_space<vmem>>, vector<16xf32>,
      %add3A_169 = arith.addf %scan3A_98, %get3A_168 : vector<16xf32>
      scf.yield %add3A_106, %add3A_115, %add3A_124, %add3A_133, %add3A_142, %add3A_151, %add3A_160, %add3A_169 : vector<16xf32>, vector<16xf32>, vector<16xf32>, vector<16xf32>, vector<16xf32>, vector<16xf32>, vector<16xf32>, vector<16xf32>
    }
    %scan3A_66 = arith.constant 16 : i32
    %add3A_67 = arith.addf %scan3A_65#0, %scan3A_65#1 : vector<16xf32>
    %add3A_68 = arith.addf %add3A_67, %scan3A_65#2 : vector<16xf32>
    %add3A_69 = arith.addf %add3A_68, %scan3A_65#3 : vector<16xf32>
    %add3A_70 = arith.addf %add3A_69, %scan3A_65#4 : vector<16xf32>
    %add3A_71 = arith.addf %add3A_70, %scan3A_65#5 : vector<16xf32>
    %add3A_72 = arith.addf %add3A_71, %scan3A_65#6 : vector<16xf32>
    %add3A_73 = arith.addf %add3A_72, %scan3A_65#7 : vector<16xf32>
    %reduce_sum3A = arith.constant true
    %reduce_sum3A_74 = vector.broadcast %reduce_sum3A : i1 to vector<16xi1>
    %reduce_sum3A_75 = tpu.scan <sum>, %add3A_73 masked %reduce_sum3A_74 : vector<16xf32>, vector<16xi1> -> vector<16xf32>
    %reduce_sum3A_76 = vector.extract %reduce_sum3A_75[15] : f32 from vector<16xf32>
    %convert_element_type3A = arith.sitofp %select_n3A_30 : i32 to f32
    %mul3A_77 = arith.mulf %reduce_sum3A_76, %convert_element_type3A : f32
    %dma_wait3A_78 = tpu.memref_slice %arg2[%select_n3A, %mul3A_32] : memref<16x4096xf32, #tpu.memory_space<hbm>> -> memref<1x2048xf32, #tpu.memory_space<hbm>>
    %dma_wait3A_79 = tpu.memref_squeeze %dma_wait3A_78 : memref<1x2048xf32, #tpu.memory_space<hbm>> -> memref<2048xf32, #tpu.memory_space<hbm>>
    %dma_wait3A_80 = tpu.memref_slice %arg2[%select_n3A, %mul3A_32] : memref<16x4096xf32, #tpu.memory_space<hbm>> -> memref<1x2048xf32, #tpu.memory_space<hbm>>
    %dma_wait3A_81 = tpu.memref_squeeze %dma_wait3A_80 : memref<1x2048xf32, #tpu.memory_space<hbm>> -> memref<2048xf32, #tpu.memory_space<hbm>>
    tpu.wait_dma2 semaphore(%arg7 : memref<!tpu.dma_semaphore, #tpu.memory_space<semaphore_mem>>) src(%dma_wait3A_81 : memref<2048xf32, #tpu.memory_space<hbm>>) dst(%arg5 : memref<2048xf32, #tpu.memory_space<vmem>>)
    %sub3A_82 = arith.constant 1.000000e+00 : f32
    %sub3A_83 = arith.subf %mul3A_77, %sub3A_82 : f32
    %scan3A_84 = arith.constant 0 : i32
    %scan3A_85 = arith.constant 128 : i32
    %scan3A_86 = arith.addi %scan3A_84, %scan3A_85 : i32
    %scan3A_87 = arith.constant 16 : i32
    %scan3A_88 = scf.for %scan3A_90 = %scan3A_84 to %scan3A_86 step %scan3A_87 iter_args(%scan3A_91 = %sub3A_83) -> (f32)  : i32 {
      %mul3A_92 = arith.constant 16 : i32
      %mul3A_93 = arith.muli %scan3A_90, %mul3A_92 : i32
      %get3A = arith.index_cast %mul3A_93 : i32 to index
      %get3A_94 = tpu.vector_load %arg5[%get3A] {strides = array<i32>} : memref<2048xf32, #tpu.memory_space<vmem>>, vector<16xf32>,
      %broadcast_in_dim3A_95 = arith.constant true
      %broadcast_in_dim3A_96 = vector.broadcast %broadcast_in_dim3A_95 : i1 to vector<16xi1>
      %masked_cumsum3A = tpu.scan <sum>, %get3A_94 masked %broadcast_in_dim3A_96 : vector<16xf32>, vector<16xi1> -> vector<16xf32>
      %add3A_97 = vector.broadcast %scan3A_91 : f32 to vector<16xf32>
      %add3A_98 = arith.addf %masked_cumsum3A, %add3A_97 : vector<16xf32>
      %swap3A = arith.index_cast %mul3A_93 : i32 to index
      %swap3A_99 = tpu.vector_load %arg5[%swap3A] {strides = array<i32>} : memref<2048xf32, #tpu.memory_space<vmem>>, vector<16xf32>,
      tpu.vector_store %arg5[%swap3A], %add3A_98 {strides = array<i32>} : memref<2048xf32, #tpu.memory_space<vmem>>, vector<16xf32>,
      %reduce_sum3A_100 = arith.constant true
      %reduce_sum3A_101 = vector.broadcast %reduce_sum3A_100 : i1 to vector<16xi1>
      %reduce_sum3A_102 = tpu.scan <sum>, %get3A_94 masked %reduce_sum3A_101 : vector<16xf32>, vector<16xi1> -> vector<16xf32>
      %reduce_sum3A_103 = vector.extract %reduce_sum3A_102[15] : f32 from vector<16xf32>
      %add3A_104 = arith.addf %scan3A_91, %reduce_sum3A_103 : f32
      %scan3A_105 = arith.constant 1 : i32
      %scan3A_106 = arith.addi %scan3A_90, %scan3A_105 : i32
      %mul3A_107 = arith.constant 16 : i32
      %mul3A_108 = arith.muli %scan3A_106, %mul3A_107 : i32
      %get3A_109 = arith.index_cast %mul3A_108 : i32 to index
      %get3A_110 = tpu.vector_load %arg5[%get3A_109] {strides = array<i32>} : memref<2048xf32, #tpu.memory_space<vmem>>, vector<16xf32>,
      %broadcast_in_dim3A_111 = arith.constant true
      %broadcast_in_dim3A_112 = vector.broadcast %broadcast_in_dim3A_111 : i1 to vector<16xi1>
      %masked_cumsum3A_113 = tpu.scan <sum>, %get3A_110 masked %broadcast_in_dim3A_112 : vector<16xf32>, vector<16xi1> -> vector<16xf32>
      %add3A_114 = vector.broadcast %add3A_104 : f32 to vector<16xf32>
      %add3A_115 = arith.addf %masked_cumsum3A_113, %add3A_114 : vector<16xf32>
      %swap3A_116 = arith.index_cast %mul3A_108 : i32 to index
      %swap3A_117 = tpu.vector_load %arg5[%swap3A_116] {strides = array<i32>} : memref<2048xf32, #tpu.memory_space<vmem>>, vector<16xf32>,
      tpu.vector_store %arg5[%swap3A_116], %add3A_115 {strides = array<i32>} : memref<2048xf32, #tpu.memory_space<vmem>>, vector<16xf32>,
      %reduce_sum3A_118 = arith.constant true
      %reduce_sum3A_119 = vector.broadcast %reduce_sum3A_118 : i1 to vector<16xi1>
      %reduce_sum3A_120 = tpu.scan <sum>, %get3A_110 masked %reduce_sum3A_119 : vector<16xf32>, vector<16xi1> -> vector<16xf32>
      %reduce_sum3A_121 = vector.extract %reduce_sum3A_120[15] : f32 from vector<16xf32>
      %add3A_122 = arith.addf %add3A_104, %reduce_sum3A_121 : f32
      %scan3A_123 = arith.constant 2 : i32
      %scan3A_124 = arith.addi %scan3A_90, %scan3A_123 : i32
      %mul3A_125 = arith.constant 16 : i32
      %mul3A_126 = arith.muli %scan3A_124, %mul3A_125 : i32
      %get3A_127 = arith.index_cast %mul3A_126 : i32 to index
      %get3A_128 = tpu.vector_load %arg5[%get3A_127] {strides = array<i32>} : memref<2048xf32, #tpu.memory_space<vmem>>, vector<16xf32>,
      %broadcast_in_dim3A_129 = arith.constant true
      %broadcast_in_dim3A_130 = vector.broadcast %broadcast_in_dim3A_129 : i1 to vector<16xi1>
      %masked_cumsum3A_131 = tpu.scan <sum>, %get3A_128 masked %broadcast_in_dim3A_130 : vector<16xf32>, vector<16xi1> -> vector<16xf32>
      %add3A_132 = vector.broadcast %add3A_122 : f32 to vector<16xf32>
      %add3A_133 = arith.addf %masked_cumsum3A_131, %add3A_132 : vector<16xf32>
      %swap3A_134 = arith.index_cast %mul3A_126 : i32 to index
      %swap3A_135 = tpu.vector_load %arg5[%swap3A_134] {strides = array<i32>} : memref<2048xf32, #tpu.memory_space<vmem>>, vector<16xf32>,
      tpu.vector_store %arg5[%swap3A_134], %add3A_133 {strides = array<i32>} : memref<2048xf32, #tpu.memory_space<vmem>>, vector<16xf32>,
      %reduce_sum3A_136 = arith.constant true
      %reduce_sum3A_137 = vector.broadcast %reduce_sum3A_136 : i1 to vector<16xi1>
      %reduce_sum3A_138 = tpu.scan <sum>, %get3A_128 masked %reduce_sum3A_137 : vector<16xf32>, vector<16xi1> -> vector<16xf32>
      %reduce_sum3A_139 = vector.extract %reduce_sum3A_138[15] : f32 from vector<16xf32>
      %add3A_140 = arith.addf %add3A_122, %reduce_sum3A_139 : f32
      %scan3A_141 = arith.constant 3 : i32
      %scan3A_142 = arith.addi %scan3A_90, %scan3A_141 : i32
      %mul3A_143 = arith.constant 16 : i32
      %mul3A_144 = arith.muli %scan3A_142, %mul3A_143 : i32
      %get3A_145 = arith.index_cast %mul3A_144 : i32 to index
      %get3A_146 = tpu.vector_load %arg5[%get3A_145] {strides = array<i32>} : memref<2048xf32, #tpu.memory_space<vmem>>, vector<16xf32>,
      %broadcast_in_dim3A_147 = arith.constant true
      %broadcast_in_dim3A_148 = vector.broadcast %broadcast_in_dim3A_147 : i1 to vector<16xi1>
      %masked_cumsum3A_149 = tpu.scan <sum>, %get3A_146 masked %broadcast_in_dim3A_148 : vector<16xf32>, vector<16xi1> -> vector<16xf32>
      %add3A_150 = vector.broadcast %add3A_140 : f32 to vector<16xf32>
      %add3A_151 = arith.addf %masked_cumsum3A_149, %add3A_150 : vector<16xf32>
      %swap3A_152 = arith.index_cast %mul3A_144 : i32 to index
      %swap3A_153 = tpu.vector_load %arg5[%swap3A_152] {strides = array<i32>} : memref<2048xf32, #tpu.memory_space<vmem>>, vector<16xf32>,
      tpu.vector_store %arg5[%swap3A_152], %add3A_151 {strides = array<i32>} : memref<2048xf32, #tpu.memory_space<vmem>>, vector<16xf32>,
      %reduce_sum3A_154 = arith.constant true
      %reduce_sum3A_155 = vector.broadcast %reduce_sum3A_154 : i1 to vector<16xi1>
      %reduce_sum3A_156 = tpu.scan <sum>, %get3A_146 masked %reduce_sum3A_155 : vector<16xf32>, vector<16xi1> -> vector<16xf32>
      %reduce_sum3A_157 = vector.extract %reduce_sum3A_156[15] : f32 from vector<16xf32>
      %add3A_158 = arith.addf %add3A_140, %reduce_sum3A_157 : f32
      %scan3A_159 = arith.constant 4 : i32
      %scan3A_160 = arith.addi %scan3A_90, %scan3A_159 : i32
      %mul3A_161 = arith.constant 16 : i32
      %mul3A_162 = arith.muli %scan3A_160, %mul3A_161 : i32
      %get3A_163 = arith.index_cast %mul3A_162 : i32 to index
      %get3A_164 = tpu.vector_load %arg5[%get3A_163] {strides = array<i32>} : memref<2048xf32, #tpu.memory_space<vmem>>, vector<16xf32>,
      %broadcast_in_dim3A_165 = arith.constant true
      %broadcast_in_dim3A_166 = vector.broadcast %broadcast_in_dim3A_165 : i1 to vector<16xi1>
      %masked_cumsum3A_167 = tpu.scan <sum>, %get3A_164 masked %broadcast_in_dim3A_166 : vector<16xf32>, vector<16xi1> -> vector<16xf32>
      %add3A_168 = vector.broadcast %add3A_158 : f32 to vector<16xf32>
      %add3A_169 = arith.addf %masked_cumsum3A_167, %add3A_168 : vector<16xf32>
      %swap3A_170 = arith.index_cast %mul3A_162 : i32 to index
      %swap3A_171 = tpu.vector_load %arg5[%swap3A_170] {strides = array<i32>} : memref<2048xf32, #tpu.memory_space<vmem>>, vector<16xf32>,
      tpu.vector_store %arg5[%swap3A_170], %add3A_169 {strides = array<i32>} : memref<2048xf32, #tpu.memory_space<vmem>>, vector<16xf32>,
      %reduce_sum3A_172 = arith.constant true
      %reduce_sum3A_173 = vector.broadcast %reduce_sum3A_172 : i1 to vector<16xi1>
      %reduce_sum3A_174 = tpu.scan <sum>, %get3A_164 masked %reduce_sum3A_173 : vector<16xf32>, vector<16xi1> -> vector<16xf32>
      %reduce_sum3A_175 = vector.extract %reduce_sum3A_174[15] : f32 from vector<16xf32>
      %add3A_176 = arith.addf %add3A_158, %reduce_sum3A_175 : f32
      %scan3A_177 = arith.constant 5 : i32
      %scan3A_178 = arith.addi %scan3A_90, %scan3A_177 : i32
      %mul3A_179 = arith.constant 16 : i32
      %mul3A_180 = arith.muli %scan3A_178, %mul3A_179 : i32
      %get3A_181 = arith.index_cast %mul3A_180 : i32 to index
      %get3A_182 = tpu.vector_load %arg5[%get3A_181] {strides = array<i32>} : memref<2048xf32, #tpu.memory_space<vmem>>, vector<16xf32>,
      %broadcast_in_dim3A_183 = arith.constant true
      %broadcast_in_dim3A_184 = vector.broadcast %broadcast_in_dim3A_183 : i1 to vector<16xi1>
      %masked_cumsum3A_185 = tpu.scan <sum>, %get3A_182 masked %broadcast_in_dim3A_184 : vector<16xf32>, vector<16xi1> -> vector<16xf32>
      %add3A_186 = vector.broadcast %add3A_176 : f32 to vector<16xf32>
      %add3A_187 = arith.addf %masked_cumsum3A_185, %add3A_186 : vector<16xf32>
      %swap3A_188 = arith.index_cast %mul3A_180 : i32 to index
      %swap3A_189 = tpu.vector_load %arg5[%swap3A_188] {strides = array<i32>} : memref<2048xf32, #tpu.memory_space<vmem>>, vector<16xf32>,
      tpu.vector_store %arg5[%swap3A_188], %add3A_187 {strides = array<i32>} : memref<2048xf32, #tpu.memory_space<vmem>>, vector<16xf32>,
      %reduce_sum3A_190 = arith.constant true
      %reduce_sum3A_191 = vector.broadcast %reduce_sum3A_190 : i1 to vector<16xi1>
      %reduce_sum3A_192 = tpu.scan <sum>, %get3A_182 masked %reduce_sum3A_191 : vector<16xf32>, vector<16xi1> -> vector<16xf32>
      %reduce_sum3A_193 = vector.extract %reduce_sum3A_192[15] : f32 from vector<16xf32>
      %add3A_194 = arith.addf %add3A_176, %reduce_sum3A_193 : f32
      %scan3A_195 = arith.constant 6 : i32
      %scan3A_196 = arith.addi %scan3A_90, %scan3A_195 : i32
      %mul3A_197 = arith.constant 16 : i32
      %mul3A_198 = arith.muli %scan3A_196, %mul3A_197 : i32
      %get3A_199 = arith.index_cast %mul3A_198 : i32 to index
      %get3A_200 = tpu.vector_load %arg5[%get3A_199] {strides = array<i32>} : memref<2048xf32, #tpu.memory_space<vmem>>, vector<16xf32>,
      %broadcast_in_dim3A_201 = arith.constant true
      %broadcast_in_dim3A_202 = vector.broadcast %broadcast_in_dim3A_201 : i1 to vector<16xi1>
      %masked_cumsum3A_203 = tpu.scan <sum>, %get3A_200 masked %broadcast_in_dim3A_202 : vector<16xf32>, vector<16xi1> -> vector<16xf32>
      %add3A_204 = vector.broadcast %add3A_194 : f32 to vector<16xf32>
      %add3A_205 = arith.addf %masked_cumsum3A_203, %add3A_204 : vector<16xf32>
      %swap3A_206 = arith.index_cast %mul3A_198 : i32 to index
      %swap3A_207 = tpu.vector_load %arg5[%swap3A_206] {strides = array<i32>} : memref<2048xf32, #tpu.memory_space<vmem>>, vector<16xf32>,
      tpu.vector_store %arg5[%swap3A_206], %add3A_205 {strides = array<i32>} : memref<2048xf32, #tpu.memory_space<vmem>>, vector<16xf32>,
      %reduce_sum3A_208 = arith.constant true
      %reduce_sum3A_209 = vector.broadcast %reduce_sum3A_208 : i1 to vector<16xi1>
      %reduce_sum3A_210 = tpu.scan <sum>, %get3A_200 masked %reduce_sum3A_209 : vector<16xf32>, vector<16xi1> -> vector<16xf32>
      %reduce_sum3A_211 = vector.extract %reduce_sum3A_210[15] : f32 from vector<16xf32>
      %add3A_212 = arith.addf %add3A_194, %reduce_sum3A_211 : f32
      %scan3A_213 = arith.constant 7 : i32
      %scan3A_214 = arith.addi %scan3A_90, %scan3A_213 : i32
      %mul3A_215 = arith.constant 16 : i32
      %mul3A_216 = arith.muli %scan3A_214, %mul3A_215 : i32
      %get3A_217 = arith.index_cast %mul3A_216 : i32 to index
      %get3A_218 = tpu.vector_load %arg5[%get3A_217] {strides = array<i32>} : memref<2048xf32, #tpu.memory_space<vmem>>, vector<16xf32>,
      %broadcast_in_dim3A_219 = arith.constant true
      %broadcast_in_dim3A_220 = vector.broadcast %broadcast_in_dim3A_219 : i1 to vector<16xi1>
      %masked_cumsum3A_221 = tpu.scan <sum>, %get3A_218 masked %broadcast_in_dim3A_220 : vector<16xf32>, vector<16xi1> -> vector<16xf32>
      %add3A_222 = vector.broadcast %add3A_212 : f32 to vector<16xf32>
      %add3A_223 = arith.addf %masked_cumsum3A_221, %add3A_222 : vector<16xf32>
      %swap3A_224 = arith.index_cast %mul3A_216 : i32 to index
      %swap3A_225 = tpu.vector_load %arg5[%swap3A_224] {strides = array<i32>} : memref<2048xf32, #tpu.memory_space<vmem>>, vector<16xf32>,
      tpu.vector_store %arg5[%swap3A_224], %add3A_223 {strides = array<i32>} : memref<2048xf32, #tpu.memory_space<vmem>>, vector<16xf32>,
      %reduce_sum3A_226 = arith.constant true
      %reduce_sum3A_227 = vector.broadcast %reduce_sum3A_226 : i1 to vector<16xi1>
      %reduce_sum3A_228 = tpu.scan <sum>, %get3A_218 masked %reduce_sum3A_227 : vector<16xf32>, vector<16xi1> -> vector<16xf32>
      %reduce_sum3A_229 = vector.extract %reduce_sum3A_228[15] : f32 from vector<16xf32>
      %add3A_230 = arith.addf %add3A_212, %reduce_sum3A_229 : f32
      %scan3A_231 = arith.constant 8 : i32
      %scan3A_232 = arith.addi %scan3A_90, %scan3A_231 : i32
      %mul3A_233 = arith.constant 16 : i32
      %mul3A_234 = arith.muli %scan3A_232, %mul3A_233 : i32
      %get3A_235 = arith.index_cast %mul3A_234 : i32 to index
      %get3A_236 = tpu.vector_load %arg5[%get3A_235] {strides = array<i32>} : memref<2048xf32, #tpu.memory_space<vmem>>, vector<16xf32>,
      %broadcast_in_dim3A_237 = arith.constant true
      %broadcast_in_dim3A_238 = vector.broadcast %broadcast_in_dim3A_237 : i1 to vector<16xi1>
      %masked_cumsum3A_239 = tpu.scan <sum>, %get3A_236 masked %broadcast_in_dim3A_238 : vector<16xf32>, vector<16xi1> -> vector<16xf32>
      %add3A_240 = vector.broadcast %add3A_230 : f32 to vector<16xf32>
      %add3A_241 = arith.addf %masked_cumsum3A_239, %add3A_240 : vector<16xf32>
      %swap3A_242 = arith.index_cast %mul3A_234 : i32 to index
      %swap3A_243 = tpu.vector_load %arg5[%swap3A_242] {strides = array<i32>} : memref<2048xf32, #tpu.memory_space<vmem>>, vector<16xf32>,
      tpu.vector_store %arg5[%swap3A_242], %add3A_241 {strides = array<i32>} : memref<2048xf32, #tpu.memory_space<vmem>>, vector<16xf32>,
      %reduce_sum3A_244 = arith.constant true
      %reduce_sum3A_245 = vector.broadcast %reduce_sum3A_244 : i1 to vector<16xi1>
      %reduce_sum3A_246 = tpu.scan <sum>, %get3A_236 masked %reduce_sum3A_245 : vector<16xf32>, vector<16xi1> -> vector<16xf32>
      %reduce_sum3A_247 = vector.extract %reduce_sum3A_246[15] : f32 from vector<16xf32>
      %add3A_248 = arith.addf %add3A_230, %reduce_sum3A_247 : f32
      %scan3A_249 = arith.constant 9 : i32
      %scan3A_250 = arith.addi %scan3A_90, %scan3A_249 : i32
      %mul3A_251 = arith.constant 16 : i32
      %mul3A_252 = arith.muli %scan3A_250, %mul3A_251 : i32
      %get3A_253 = arith.index_cast %mul3A_252 : i32 to index
      %get3A_254 = tpu.vector_load %arg5[%get3A_253] {strides = array<i32>} : memref<2048xf32, #tpu.memory_space<vmem>>, vector<16xf32>,
      %broadcast_in_dim3A_255 = arith.constant true
      %broadcast_in_dim3A_256 = vector.broadcast %broadcast_in_dim3A_255 : i1 to vector<16xi1>
      %masked_cumsum3A_257 = tpu.scan <sum>, %get3A_254 masked %broadcast_in_dim3A_256 : vector<16xf32>, vector<16xi1> -> vector<16xf32>
      %add3A_258 = vector.broadcast %add3A_248 : f32 to vector<16xf32>
      %add3A_259 = arith.addf %masked_cumsum3A_257, %add3A_258 : vector<16xf32>
      %swap3A_260 = arith.index_cast %mul3A_252 : i32 to index
      %swap3A_261 = tpu.vector_load %arg5[%swap3A_260] {strides = array<i32>} : memref<2048xf32, #tpu.memory_space<vmem>>, vector<16xf32>,
      tpu.vector_store %arg5[%swap3A_260], %add3A_259 {strides = array<i32>} : memref<2048xf32, #tpu.memory_space<vmem>>, vector<16xf32>,
      %reduce_sum3A_262 = arith.constant true
      %reduce_sum3A_263 = vector.broadcast %reduce_sum3A_262 : i1 to vector<16xi1>
      %reduce_sum3A_264 = tpu.scan <sum>, %get3A_254 masked %reduce_sum3A_263 : vector<16xf32>, vector<16xi1> -> vector<16xf32>
      %reduce_sum3A_265 = vector.extract %reduce_sum3A_264[15] : f32 from vector<16xf32>
      %add3A_266 = arith.addf %add3A_248, %reduce_sum3A_265 : f32
      %scan3A_267 = arith.constant 10 : i32
      %scan3A_268 = arith.addi %scan3A_90, %scan3A_267 : i32
      %mul3A_269 = arith.constant 16 : i32
      %mul3A_270 = arith.muli %scan3A_268, %mul3A_269 : i32
      %get3A_271 = arith.index_cast %mul3A_270 : i32 to index
      %get3A_272 = tpu.vector_load %arg5[%get3A_271] {strides = array<i32>} : memref<2048xf32, #tpu.memory_space<vmem>>, vector<16xf32>,
      %broadcast_in_dim3A_273 = arith.constant true
      %broadcast_in_dim3A_274 = vector.broadcast %broadcast_in_dim3A_273 : i1 to vector<16xi1>
      %masked_cumsum3A_275 = tpu.scan <sum>, %get3A_272 masked %broadcast_in_dim3A_274 : vector<16xf32>, vector<16xi1> -> vector<16xf32>
      %add3A_276 = vector.broadcast %add3A_266 : f32 to vector<16xf32>
      %add3A_277 = arith.addf %masked_cumsum3A_275, %add3A_276 : vector<16xf32>
      %swap3A_278 = arith.index_cast %mul3A_270 : i32 to index
      %swap3A_279 = tpu.vector_load %arg5[%swap3A_278] {strides = array<i32>} : memref<2048xf32, #tpu.memory_space<vmem>>, vector<16xf32>,
      tpu.vector_store %arg5[%swap3A_278], %add3A_277 {strides = array<i32>} : memref<2048xf32, #tpu.memory_space<vmem>>, vector<16xf32>,
      %reduce_sum3A_280 = arith.constant true
      %reduce_sum3A_281 = vector.broadcast %reduce_sum3A_280 : i1 to vector<16xi1>
      %reduce_sum3A_282 = tpu.scan <sum>, %get3A_272 masked %reduce_sum3A_281 : vector<16xf32>, vector<16xi1> -> vector<16xf32>
      %reduce_sum3A_283 = vector.extract %reduce_sum3A_282[15] : f32 from vector<16xf32>
      %add3A_284 = arith.addf %add3A_266, %reduce_sum3A_283 : f32
      %scan3A_285 = arith.constant 11 : i32
      %scan3A_286 = arith.addi %scan3A_90, %scan3A_285 : i32
      %mul3A_287 = arith.constant 16 : i32
      %mul3A_288 = arith.muli %scan3A_286, %mul3A_287 : i32
      %get3A_289 = arith.index_cast %mul3A_288 : i32 to index
      %get3A_290 = tpu.vector_load %arg5[%get3A_289] {strides = array<i32>} : memref<2048xf32, #tpu.memory_space<vmem>>, vector<16xf32>,
      %broadcast_in_dim3A_291 = arith.constant true
      %broadcast_in_dim3A_292 = vector.broadcast %broadcast_in_dim3A_291 : i1 to vector<16xi1>
      %masked_cumsum3A_293 = tpu.scan <sum>, %get3A_290 masked %broadcast_in_dim3A_292 : vector<16xf32>, vector<16xi1> -> vector<16xf32>
      %add3A_294 = vector.broadcast %add3A_284 : f32 to vector<16xf32>
      %add3A_295 = arith.addf %masked_cumsum3A_293, %add3A_294 : vector<16xf32>
      %swap3A_296 = arith.index_cast %mul3A_288 : i32 to index
      %swap3A_297 = tpu.vector_load %arg5[%swap3A_296] {strides = array<i32>} : memref<2048xf32, #tpu.memory_space<vmem>>, vector<16xf32>,
      tpu.vector_store %arg5[%swap3A_296], %add3A_295 {strides = array<i32>} : memref<2048xf32, #tpu.memory_space<vmem>>, vector<16xf32>,
      %reduce_sum3A_298 = arith.constant true
      %reduce_sum3A_299 = vector.broadcast %reduce_sum3A_298 : i1 to vector<16xi1>
      %reduce_sum3A_300 = tpu.scan <sum>, %get3A_290 masked %reduce_sum3A_299 : vector<16xf32>, vector<16xi1> -> vector<16xf32>
      %reduce_sum3A_301 = vector.extract %reduce_sum3A_300[15] : f32 from vector<16xf32>
      %add3A_302 = arith.addf %add3A_284, %reduce_sum3A_301 : f32
      %scan3A_303 = arith.constant 12 : i32
      %scan3A_304 = arith.addi %scan3A_90, %scan3A_303 : i32
      %mul3A_305 = arith.constant 16 : i32
      %mul3A_306 = arith.muli %scan3A_304, %mul3A_305 : i32
      %get3A_307 = arith.index_cast %mul3A_306 : i32 to index
      %get3A_308 = tpu.vector_load %arg5[%get3A_307] {strides = array<i32>} : memref<2048xf32, #tpu.memory_space<vmem>>, vector<16xf32>,
      %broadcast_in_dim3A_309 = arith.constant true
      %broadcast_in_dim3A_310 = vector.broadcast %broadcast_in_dim3A_309 : i1 to vector<16xi1>
      %masked_cumsum3A_311 = tpu.scan <sum>, %get3A_308 masked %broadcast_in_dim3A_310 : vector<16xf32>, vector<16xi1> -> vector<16xf32>
      %add3A_312 = vector.broadcast %add3A_302 : f32 to vector<16xf32>
      %add3A_313 = arith.addf %masked_cumsum3A_311, %add3A_312 : vector<16xf32>
      %swap3A_314 = arith.index_cast %mul3A_306 : i32 to index
      %swap3A_315 = tpu.vector_load %arg5[%swap3A_314] {strides = array<i32>} : memref<2048xf32, #tpu.memory_space<vmem>>, vector<16xf32>,
      tpu.vector_store %arg5[%swap3A_314], %add3A_313 {strides = array<i32>} : memref<2048xf32, #tpu.memory_space<vmem>>, vector<16xf32>,
      %reduce_sum3A_316 = arith.constant true
      %reduce_sum3A_317 = vector.broadcast %reduce_sum3A_316 : i1 to vector<16xi1>
      %reduce_sum3A_318 = tpu.scan <sum>, %get3A_308 masked %reduce_sum3A_317 : vector<16xf32>, vector<16xi1> -> vector<16xf32>
      %reduce_sum3A_319 = vector.extract %reduce_sum3A_318[15] : f32 from vector<16xf32>
      %add3A_320 = arith.addf %add3A_302, %reduce_sum3A_319 : f32
      %scan3A_321 = arith.constant 13 : i32
      %scan3A_322 = arith.addi %scan3A_90, %scan3A_321 : i32
      %mul3A_323 = arith.constant 16 : i32
      %mul3A_324 = arith.muli %scan3A_322, %mul3A_323 : i32
      %get3A_325 = arith.index_cast %mul3A_324 : i32 to index
      %get3A_326 = tpu.vector_load %arg5[%get3A_325] {strides = array<i32>} : memref<2048xf32, #tpu.memory_space<vmem>>, vector<16xf32>,
      %broadcast_in_dim3A_327 = arith.constant true
      %broadcast_in_dim3A_328 = vector.broadcast %broadcast_in_dim3A_327 : i1 to vector<16xi1>
      %masked_cumsum3A_329 = tpu.scan <sum>, %get3A_326 masked %broadcast_in_dim3A_328 : vector<16xf32>, vector<16xi1> -> vector<16xf32>
      %add3A_330 = vector.broadcast %add3A_320 : f32 to vector<16xf32>
      %add3A_331 = arith.addf %masked_cumsum3A_329, %add3A_330 : vector<16xf32>
      %swap3A_332 = arith.index_cast %mul3A_324 : i32 to index
      %swap3A_333 = tpu.vector_load %arg5[%swap3A_332] {strides = array<i32>} : memref<2048xf32, #tpu.memory_space<vmem>>, vector<16xf32>,
      tpu.vector_store %arg5[%swap3A_332], %add3A_331 {strides = array<i32>} : memref<2048xf32, #tpu.memory_space<vmem>>, vector<16xf32>,
      %reduce_sum3A_334 = arith.constant true
      %reduce_sum3A_335 = vector.broadcast %reduce_sum3A_334 : i1 to vector<16xi1>
      %reduce_sum3A_336 = tpu.scan <sum>, %get3A_326 masked %reduce_sum3A_335 : vector<16xf32>, vector<16xi1> -> vector<16xf32>
      %reduce_sum3A_337 = vector.extract %reduce_sum3A_336[15] : f32 from vector<16xf32>
      %add3A_338 = arith.addf %add3A_320, %reduce_sum3A_337 : f32
      %scan3A_339 = arith.constant 14 : i32
      %scan3A_340 = arith.addi %scan3A_90, %scan3A_339 : i32
      %mul3A_341 = arith.constant 16 : i32
      %mul3A_342 = arith.muli %scan3A_340, %mul3A_341 : i32
      %get3A_343 = arith.index_cast %mul3A_342 : i32 to index
      %get3A_344 = tpu.vector_load %arg5[%get3A_343] {strides = array<i32>} : memref<2048xf32, #tpu.memory_space<vmem>>, vector<16xf32>,
      %broadcast_in_dim3A_345 = arith.constant true
      %broadcast_in_dim3A_346 = vector.broadcast %broadcast_in_dim3A_345 : i1 to vector<16xi1>
      %masked_cumsum3A_347 = tpu.scan <sum>, %get3A_344 masked %broadcast_in_dim3A_346 : vector<16xf32>, vector<16xi1> -> vector<16xf32>
      %add3A_348 = vector.broadcast %add3A_338 : f32 to vector<16xf32>
      %add3A_349 = arith.addf %masked_cumsum3A_347, %add3A_348 : vector<16xf32>
      %swap3A_350 = arith.index_cast %mul3A_342 : i32 to index
      %swap3A_351 = tpu.vector_load %arg5[%swap3A_350] {strides = array<i32>} : memref<2048xf32, #tpu.memory_space<vmem>>, vector<16xf32>,
      tpu.vector_store %arg5[%swap3A_350], %add3A_349 {strides = array<i32>} : memref<2048xf32, #tpu.memory_space<vmem>>, vector<16xf32>,
      %reduce_sum3A_352 = arith.constant true
      %reduce_sum3A_353 = vector.broadcast %reduce_sum3A_352 : i1 to vector<16xi1>
      %reduce_sum3A_354 = tpu.scan <sum>, %get3A_344 masked %reduce_sum3A_353 : vector<16xf32>, vector<16xi1> -> vector<16xf32>
      %reduce_sum3A_355 = vector.extract %reduce_sum3A_354[15] : f32 from vector<16xf32>
      %add3A_356 = arith.addf %add3A_338, %reduce_sum3A_355 : f32
      %scan3A_357 = arith.constant 15 : i32
      %scan3A_358 = arith.addi %scan3A_90, %scan3A_357 : i32
      %mul3A_359 = arith.constant 16 : i32
      %mul3A_360 = arith.muli %scan3A_358, %mul3A_359 : i32
      %get3A_361 = arith.index_cast %mul3A_360 : i32 to index
      %get3A_362 = tpu.vector_load %arg5[%get3A_361] {strides = array<i32>} : memref<2048xf32, #tpu.memory_space<vmem>>, vector<16xf32>,
      %broadcast_in_dim3A_363 = arith.constant true
      %broadcast_in_dim3A_364 = vector.broadcast %broadcast_in_dim3A_363 : i1 to vector<16xi1>
      %masked_cumsum3A_365 = tpu.scan <sum>, %get3A_362 masked %broadcast_in_dim3A_364 : vector<16xf32>, vector<16xi1> -> vector<16xf32>
      %add3A_366 = vector.broadcast %add3A_356 : f32 to vector<16xf32>
      %add3A_367 = arith.addf %masked_cumsum3A_365, %add3A_366 : vector<16xf32>
      %swap3A_368 = arith.index_cast %mul3A_360 : i32 to index
      %swap3A_369 = tpu.vector_load %arg5[%swap3A_368] {strides = array<i32>} : memref<2048xf32, #tpu.memory_space<vmem>>, vector<16xf32>,
      tpu.vector_store %arg5[%swap3A_368], %add3A_367 {strides = array<i32>} : memref<2048xf32, #tpu.memory_space<vmem>>, vector<16xf32>,
      %reduce_sum3A_370 = arith.constant true
      %reduce_sum3A_371 = vector.broadcast %reduce_sum3A_370 : i1 to vector<16xi1>
      %reduce_sum3A_372 = tpu.scan <sum>, %get3A_362 masked %reduce_sum3A_371 : vector<16xf32>, vector<16xi1> -> vector<16xf32>
      %reduce_sum3A_373 = vector.extract %reduce_sum3A_372[15] : f32 from vector<16xf32>
      %add3A_374 = arith.addf %add3A_356, %reduce_sum3A_373 : f32
      scf.yield %add3A_374 : f32
    }
    %scan3A_89 = arith.constant 128 : i32
    "tpu.region"() ({
      %run_scoped3A = tpu.sem_alloc : memref<!tpu.dma_semaphore, #tpu.memory_space<semaphore_mem>>
      %dma_start3A_90 = tpu.memref_slice %arg3[%select_n3A, %mul3A_32] : memref<16x4096xf32, #tpu.memory_space<hbm>> -> memref<1x2048xf32, #tpu.memory_space<hbm>>
      %dma_start3A_91 = tpu.memref_squeeze %dma_start3A_90 : memref<1x2048xf32, #tpu.memory_space<hbm>> -> memref<2048xf32, #tpu.memory_space<hbm>>
      %dma_start3A_92 = tpu.memref_slice %arg3[%select_n3A, %mul3A_32] : memref<16x4096xf32, #tpu.memory_space<hbm>> -> memref<1x2048xf32, #tpu.memory_space<hbm>>
      %dma_start3A_93 = tpu.memref_squeeze %dma_start3A_92 : memref<1x2048xf32, #tpu.memory_space<hbm>> -> memref<2048xf32, #tpu.memory_space<hbm>>
      tpu.enqueue_dma source(%arg5 : memref<2048xf32, #tpu.memory_space<vmem>>) target(%dma_start3A_93 : memref<2048xf32, #tpu.memory_space<hbm>>) target_semaphore(%run_scoped3A : memref<!tpu.dma_semaphore, #tpu.memory_space<semaphore_mem>>)
      %dma_wait3A_94 = tpu.memref_slice %arg3[%select_n3A, %mul3A_32] : memref<16x4096xf32, #tpu.memory_space<hbm>> -> memref<1x2048xf32, #tpu.memory_space<hbm>>
      %dma_wait3A_95 = tpu.memref_squeeze %dma_wait3A_94 : memref<1x2048xf32, #tpu.memory_space<hbm>> -> memref<2048xf32, #tpu.memory_space<hbm>>
      %dma_wait3A_96 = tpu.memref_slice %arg3[%select_n3A, %mul3A_32] : memref<16x4096xf32, #tpu.memory_space<hbm>> -> memref<1x2048xf32, #tpu.memory_space<hbm>>
      %dma_wait3A_97 = tpu.memref_squeeze %dma_wait3A_96 : memref<1x2048xf32, #tpu.memory_space<hbm>> -> memref<2048xf32, #tpu.memory_space<hbm>>
      tpu.wait_dma2 semaphore(%run_scoped3A : memref<!tpu.dma_semaphore, #tpu.memory_space<semaphore_mem>>) src(%arg5 : memref<2048xf32, #tpu.memory_space<vmem>>) dst(%dma_wait3A_97 : memref<2048xf32, #tpu.memory_space<hbm>>)
      tpu.yield
    }) : () -> ()
    return
  }
}

</mosaic_0001>

<sc_bundles>
// kernel: kernel.3.cloned.1.call-start
scs
__scs_entry_jumppad:
0x0: {  	(pc) =	sbr.rel $0x88, $3  }
0x1: {  	(tag) =	ssettag $0x0;
	lr =	simm.s32 $0x1  }
0x2: {  	[smem:$0x3FA0] =	sst lr;
	_ =	strace $0xD0000000  }
0x3: {  	_ = 	snop  }
0x4: {  	_ = 	snop  }
0x5: {  	_ = 	snop  }
0x6: {  	_ = 	snop  }
0x7: {  	_ = 	snop  }
__scs_overlays_trampoline_lowered:
0x8: {  	[smem:$0x3FAF] =	sst s0  }
0x9: {  	[smem:$0x3FB0] =	sst s1  }
0xa: {  	[smem:$0x3FB1] =	sst s2  }
0xb: {  	[smem:$0x3FB2] =	sst s3  }
0xc: {  	[smem:$0x3FB3] =	sst s4  }
0xd: {  	[smem:$0x3FB4] =	sst s5  }
0xe: {  	[smem:$0x3FB5] =	sst s6  }
0xf: {  	[smem:$0x3FB6] =	sst s7  }
0x10: {  	[smem:$0x3FB7] =	sst s8  }
0x11: {  	[smem:$0x3FB8] =	sst s9;
	s0 =	simm.s32 @!p0 $0x0  }
0x12: {  	s1 =	sld [smem:$0x3F9E];
	s0 =	simm.s32 @p0 $0x1  }
0x13: {  	[smem:$0x3FB9] =	sst s0;
	s0 =	simm.s32 @!p1 $0x0  }
0x14: {  	s2 =	sld [smem:$0x3F9D];
	s0 =	simm.s32 @p1 $0x1  }
0x15: {  	[smem:$0x3FBA] =	sst s0;
	s0 =	simm.s32 @!p2 $0x0  }
0x16: {  	s3 =	sld [smem:$0x3FDB];
	s0 =	simm.s32 @p2 $0x1  }
0x17: {  	s4 =	simm.s32 $0x1BF5;
	[smem:$0x3FBC] =	sst s0  }
0x18: {  	s0 =	sld [smem:$0x3F9F];
	_ =	swait.ge [sflag:s4], $0x0  }
0x19: {  	s7 =	sld [smem:$0x3FA0]  }
0x1a: {  	s8 =	sadd.s32 $0xFFFFE003, lr  }
0x1b: {  	s9 =	sadd.s32 $0xFFFFFEF7, lr;
	s5 =	simm.s32 $0xFFFFFFFF;
	p2 =	slt.u32 s8, $0xFFFFF086  }
0x1c: {  	p1 =	slt.u32 s9, $0xF7A;
	s5 =	simm.s32 @!p2 $0x0  }
0x1d: {  	s5 =	simm.s32 @p1 $0x1;
	p0 =	seq.s32 s7, s2  }
0x1e: {  	s7 =	smul.u32 @!p0 $0xF7A, s2;
	p2 =	seq.s32 @!p0 s5, $0x0  }
0x1f: {  	s9 =	smul.u32 $0xF7A, s1;
	s8 =	simm.s32 @!p0 $0x1BF5;
	p2 =	por !p2, p0  }
0x20: {  	[sflag:s8] =	ssyncset.s32 @!p0 $0xFFFFF086;
	s6 =	sadd.s32 @!p0 s3, s7;
	s7 =	simm.s32 @!p0 $0x108  }
0x21: {  	s3 =	sadd.s32 s3, s9;
	s6 =	sadd.s32 @!p0 $0x88, s6;
	s7 =	simm.s32 @p2 $0x1082  }
0x22: {  	[simem:s7], [sflag:s8] =	dma.local @!p0 [hbm:s6], $0xF7A  }
0x23: {  	s9 =	sor.u32 $0xD0000000, s2;
	s6 =	simm.s32 $0x108;
	_ =	swait.ge @!p0 [sflag:s8], $0x0  }
0x24: {  	s3 =	sadd.s32 $0x88, s3;
	s6 =	simm.s32 @!p1 $0x1082;
	[sflag:s4] =	ssyncset.s32 $0xFFFFF086  }
0x25: {  	[simem:s6], [sflag:s4] =	dma.local [hbm:s3], $0xF7A  }
0x26: {  	[smem:$0x3FA0] =	sst s1;
	(tag) =	ssettag s2;
	_ =	strace s9  }
0x27: {  	s1 =	sld [smem:$0x3FB0]  }
0x28: {  	s2 =	sld [smem:$0x3FB1]  }
0x29: {  	s4 =	sld [smem:$0x3FB3]  }
0x2a: {  	p0 =	seq.s32 s5, $0x0;
	s5 =	sld [smem:$0x3FB4]  }
0x2b: {  	s6 =	sld [smem:$0x3FB5]  }
0x2c: {  	s7 =	sld [smem:$0x3FB6]  }
0x2d: {  	s3 =	simm.s32 $0x108;
	s8 =	sld [smem:$0x3FB7]  }
0x2e: {  	s3 =	simm.s32 @!p0 $0x1082;
	s9 =	sld [smem:$0x3FB8]  }
0x2f: {  	lr =	sadd.s32 s0, s3;
	s0 =	sld [smem:$0x3FAF]  }
0x30: {  	s3 =	sld [smem:$0x3FB2]  }
0x31: {  	[smem:$0x3FBB] =	sst s10  }
0x32: {  	s10 =	sld [smem:$0x3FB9];
	_ =	sdelay $0x3  }
0x33: {  	p0 =	seq.s32 s10, $0x1;
	s10 =	sld [smem:$0x3FBB];
	_ =	sdelay $0x3  }
0x34: {  	[smem:$0x3FBB] =	sst s10  }
0x35: {  	s10 =	sld [smem:$0x3FBA];
	_ =	sdelay $0x3  }
0x36: {  	p1 =	seq.s32 s10, $0x1;
	s10 =	sld [smem:$0x3FBB];
	_ =	sdelay $0x3  }
0x37: {  	[smem:$0x3FBB] =	sst s10  }
0x38: {  	s10 =	sld [smem:$0x3FBC]  }
0x39: {  	_ = 	snop;
	(pc) =	sbr.ind lr, $3  }
0x3a: {  	_ = 	snop  }
0x3b: {  	_ = 	snop  }
0x3c: {  	p2 =	seq.s32 s10, $0x1;
	s10 =	sld [smem:$0x3FBB]  }
0x3d: {  	_ =	shalt  }
0x3e: {  	_ =	shalt  }
0x3f: {  	_ =	shalt  }
0x40: {  	_ =	shalt  }
0x41: {  	_ =	shalt  }
0x42: {  	_ =	shalt  }
0x43: {  	_ =	shalt  }
0x44: {  	_ =	shalt  }
0x45: {  	_ =	shalt  }
0x46: {  	_ =	shalt  }
0x47: {  	_ =	shalt  }
0x48: {  	_ =	shalt  }
0x49: {  	_ =	shalt  }
0x4a: {  	_ =	shalt  }
0x4b: {  	_ =	shalt  }
0x4c: {  	_ =	shalt  }
0x4d: {  	_ =	shalt  }
0x4e: {  	_ =	shalt  }
0x4f: {  	_ =	shalt  }
0x50: {  	_ =	shalt  }
0x51: {  	_ =	shalt  }
0x52: {  	_ =	shalt  }
0x53: {  	_ =	shalt  }
0x54: {  	_ =	shalt  }
0x55: {  	_ =	shalt  }
0x56: {  	_ =	shalt  }
0x57: {  	_ =	shalt  }
0x58: {  	_ =	shalt  }
0x59: {  	_ =	shalt  }
0x5a: {  	_ =	shalt  }
0x5b: {  	_ =	shalt  }
0x5c: {  	_ =	shalt  }
0x5d: {  	_ =	shalt  }
0x5e: {  	_ =	shalt  }
0x5f: {  	_ =	shalt  }
0x60: {  	_ =	shalt  }
0x61: {  	_ =	shalt  }
0x62: {  	_ =	shalt  }
0x63: {  	_ =	shalt  }
0x64: {  	_ =	shalt  }
0x65: {  	_ =	shalt  }
0x66: {  	_ =	shalt  }
0x67: {  	_ =	shalt  }
0x68: {  	_ =	shalt  }
0x69: {  	_ =	shalt  }
0x6a: {  	_ =	shalt  }
0x6b: {  	_ =	shalt  }
0x6c: {  	_ =	shalt  }
0x6d: {  	_ =	shalt  }
0x6e: {  	_ =	shalt  }
0x6f: {  	_ =	shalt  }
0x70: {  	_ =	shalt  }
0x71: {  	_ =	shalt  }
0x72: {  	_ =	shalt  }
0x73: {  	_ =	shalt  }
0x74: {  	_ =	shalt  }
0x75: {  	_ =	shalt  }
0x76: {  	_ =	shalt  }
0x77: {  	_ =	shalt  }
0x78: {  	_ =	shalt  }
0x79: {  	_ =	shalt  }
0x7a: {  	_ =	shalt  }
0x7b: {  	_ =	shalt  }
0x7c: {  	_ =	shalt  }
0x7d: {  	_ =	shalt  }
0x7e: {  	_ =	shalt  }
0x7f: {  	_ =	shalt  }
0x80: {  	_ =	shalt  }
0x81: {  	_ =	shalt  }
0x82: {  	_ =	shalt  }
0x83: {  	_ =	shalt  }
0x84: {  	_ =	shalt  }
0x85: {  	_ =	shalt  }
0x86: {  	_ =	shalt  }
0x87: {  	_ =	shalt  }
.Lfunc_end0:
.L_simem_size_0:
called_computation_lowered:
.L_overlay_start_0:
0x88: {  	s2 =	sld [smem:$0x3FD9]  }
0x89: {  	s3 =	sld [smem:$0x3FFE];
	_ =	sdelay $0x1  }
0x8a: {  	s1 =	srdreg.scid  }
0x8b: {  	s0 =	sand.u32 $0x1, s1  }
0x8c: {  	s18 =	sshll.u32 s0, $0xA;
	s2 =	sadd.s32 s3, s2  }
0x8d: {  	s2 =	sadd.s32 s2, s18  }
0x8e: {  	[smem:$0x3FC7] =	sst s2  }
0x8f: {  	_ = 	snop  }
0x90: {  	s2 =	sld [smem:$0x3FC9]  }
0x91: {  	s19 =	sld [smem:$0x3FD0];
	(tm) =	ssettm $0x1  }
0x92: {  	s4 =	sld [smem:$0x3FFB];
	_ =	sdelay $0x3  }
0x93: {  	_ =	strace s4  }
0x94: {  	s4 =	sld [smem:$0x3FFC];
	_ =	sdelay $0x3  }
0x95: {  	_ =	strace s4  }
0x96: {  	s4 =	sld [smem:$0x3FFD];
	_ =	sdelay $0x3  }
0x97: {  	_ =	strace s4  }
0x98: {  	_ =	strace $0x8FFFFFFF  }
0x99: {  	s20 =	sld [smem:$0x3FDB];
	_ =	sdelay $0x1  }
0x9a: {  	s5 =	simm.s32 $_scs_section_size  }
0x9b: {  	s6 =	simm.s32 $_size__tile_overlayer_lowered;
	s7 =	simm.s32 $_tile_overlayer_lowered  }
0x9c: {  	s23 =	simm.s32 $0x1BFF;
	s22 =	sshll.u32 s7, $0x1;
	s4 =	sadd.s32 s5, s20  }
0x9d: {  	s8 =	simm.s32 $0x0;
	s21 =	sshll.u32 s6, $0x1;
	s6 =	sadd.s32 s22, s4  }
0x9e: {  	[timem:s8], [sflag:s23] =	dma.local [hbm:s6], s21  }
0x9f: {  	_ =	swait.ge [sflag:s23], s21  }
0xa0: {  	s5 =	ssub.s32 $0x0, s21;
	[sflag:s23] =	ssyncset.done $0x0  }
0xa1: {  	[sflag:s23] =	ssyncadd.s32 s5;
	_ =	sdelay $0x1  }
0xa2: {  	s24 =	simm.s32 $0x1B8B  }
0xa3: {  	_ =	swait.ge [sflag:s24], $0x1  }
0xa4: {  	[sflag:s24] =	ssyncset.done $0x0  }
0xa5: {  	s25 =	simm.s32 $0x1B8E;
	[sflag:s24] =	ssyncadd.s32 $0xFFFFFFFF  }
0xa6: {  	s26 =	simm.s32 $execute0_lowered;
	[smem:$0x3FD2] =	sst s25  }
0xa7: {  	s5 =	sshll.u32 s26, $0x1;
	_ =	strace $0x80000046;
	[dreg:$0x1] =	wrdreg $0xFFFFFFFF  }
0xa8: {  	s28 =	simm.s32 $_size_execute0_lowered;
	s4 =	sadd.s32 s4, s5;
	[dreg:$0x0] =	wrdreg $0x0  }
0xa9: {  	s5 =	sshll.u32 s28, $0x1;
	[dreg:$0x2] =	wrdreg s4  }
0xaa: {  	[dreg:$0x3] =	wrdreg s5  }
0xab: {  	[dreg:$0x4] =	wrdreg $0xC0  }
0xac: {  	_ =	task [dreg:s8], $0x5FFFF  }
0xad: {  	[dreg:$0x1] =	wrdreg $0xFFFFFFFF  }
0xae: {  	[dreg:$0x0] =	wrdreg $0x60  }
0xaf: {  	[dreg:$0x2] =	wrdreg s2  }
0xb0: {  	[dreg:$0x3] =	wrdreg s19  }
0xb1: {  	[dreg:$0x4] =	wrdreg $0x9  }
0xb2: {  	_ =	task.clear_ibuf [dreg:s8], $0x5FFFF;
	_ =	strace $0x90000046  }
0xb3: {  	s29 =	simm.s32 $0x9;
	_ =	strace $0x80000048  }
0xb4: {  	_ =	swait.ge [sflag:s29], $0x1  }
0xb5: {  	[sflag:s29] =	ssyncadd.s32 $0xFFFFFFFF  }
0xb6: {  	_ =	strace $0x90000048  }
0xb7: {  	_ =	sfence  }
0xb8: {  	s30 =	sld [smem:$0x0];
	_ =	sdelay $0x2  }
0xb9: {  	s31 =	sshll.u32 s1, $0xD;
	s1 =	sshrl.u32 s1, $0x2  }
0xba: {  	s3 =	sand.u32 $0x4000, s31;
	s1 =	sadd.s32 s1, s30  }
0xbb: {  	s0 =	sor.u32 s3, s0;
	s1 =	sshll.u32 s1, $0x11  }
0xbc: {  	s0 =	sor.u32 s1, s0  }
0xbd: {  	s0 =	sadd.s32 $0x8F2B, s0  }
0xbe: {  	[sflag:s0] =	ssyncadd.remote.s32 $0x1  }
0xbf: {  	_ =	sfence.sel $0xFFFF  }
0xc0: {  	[dreg:$0x0] =	wrdreg $0xFFFFFFFF;
	(pc) =	sbr.abs _section_cstart, $3  }
0xc1: {  	[dreg:$0x1] =	wrdreg $0xFFFFFFFF  }
0xc2: {  	_ =	task.clear_ibuf [dreg:s8], $0x2FFFF;
	_ =	strace $0x9FFFFFFF  }
0xc3: {  	(tm) =	ssettm $0x7FFFFFFF  }
tec
execute0_lowered:
.L_overlay_start_1:
0x0: {  	(tag) =	ssettag $0x1  }
0x1: {  	s1 =	srdreg.scid;
	s0 =	stileid.u32  }
0x2: {  	s5 =	rddreg [dreg:$0x0];
	s2 =	simm.s32 $0x1;
	s6 =	sand.u32 $0x1, s1  }
0x3: {  	s7 =	rddreg [dreg:$0x1];
	s11 =	simm.s32 $0x800;
	s1 =	sor.u32 s6, s0  }
0x4: {  	s12 =	simm.s32 $0x2;
	p1 =	seq.s32 s6, $0x1;
	p0 =	seq.s32 s1, $0x0  }
0x5: {  	s13 =	simm.s32 $0x3;
	s14 =	simm.s32 $0x0;
	p0 =	por !p0, !p1  }
0x6: {  	s8 =	ssub.s32 $0x2, s6;
	s30 =	sshll.u32 s6, $0xE;
	p0 =	por !p0, !p0  }
0x7: {  	s6 =	scvt.s32.f32 s6;
	s9 =	sshrl.u32 s8, $0x1;
	s2 =	simm.s32 @!p0 $0x0  }
0x8: {  	s1 =	rddreg [dreg:$0x2];
	s8 =	ssub.s32 s8, s9;
	s3 =	ssub.s32 s0, s2  }
0x9: {  	s9 =	simm.s32 $0x80;
	s4 =	sshll.u32 s3, $0xC;
	s3 =	sshll.u32 s3, $0x7  }
0xa: {  	s2 =	simm.s32 $0x0;
	s4 =	sand.u32 $0xFFFF8000, s4;
	s3 =	sand.u32 $0x380, s3  }
0xb: {  	s8 =	smax.u32 s8, $0x1;
	[smem:$0x7FF] =	sst s2;
	s3 =	sor.u32 s3, s4  }
0xc: {  	_ =	strace $0x80000047;
	s4 =	sor.u32 s30, s3;
	s31 =	sshrl.u32 s3, $0x3  }
0xd: {  	s3 =	simm.s32 $0x1;
	s10 =	sshrl.u32 s4, $0x3;
	s4 =	sadd.s32 s5, s31  }
0xe: {  	s5 =	sadd.s32 s5, s10;
	s7 =	sadd.s32 s7, s10;
	s10 =	simm.s32 $0x400  }
.LBB2_1:
0xf: {  	[tilespmem:s2], [sflag:$0x1] =	stream.strided.gather [hbm4b:s4+s9], $0x800, s10, s9, $0x38;
	[tilespmem:$0x1000] =	vst v63  }
0x10: {  	_ = 	snop  }
0x11: {  	[tilespmem:s11], [sflag:$0x2] =	stream.strided.gather [hbm4b:s5+s9], $0x800, s10, s9, $0x38;
	[tilespmem:$0x1000] =	vst v63  }
0x12: {  	_ =	swait.ge [sflag:s3], $0x800  }
0x13: {  	[sflag:s3] =	ssyncset.done $0x0  }
0x14: {  	s17 =	simm.s32 $0x0;
	[sflag:s3] =	ssyncadd.s32 $0xFFFFF800  }
0x15: {  	v0 =	vld [tilespmem:s17+$0x70]  }
0x16: {  	v1 =	vld [tilespmem:s17+$0x0]  }
0x17: {  	v3 =	vld [tilespmem:s17+$0x10]  }
0x18: {  	v12 =	vld [tilespmem:s17+$0x20]  }
0x19: {  	v11 =	vld [tilespmem:s17+$0x30]  }
0x1a: {  	v2 =	vimm.f32 $0.0e+00;
	v8 =	vimm.f32 $0.0e+00;
	v4 =	vld [tilespmem:s17+$0x40]  }
0x1b: {  	v9 =	vimm.f32 $0.0e+00;
	v5 =	vld [tilespmem:s17+$0x50];
	v0 =	vadd.f32 v0, v2;
	v7 =	vadd.f32 v1, v2  }
0x1c: {  	s15 =	simm.s32 $0x80;
	s16 =	simm.s32 $0x400;
	v6 =	vld [tilespmem:s17+$0x60];
	v10 =	vadd.f32 v3, v2;
	v3 =	vimm.f32 $0.0e+00;
	v1 =	vimm.f32 $0.0e+00  }
.LBB2_2:
0x1d: {  	p0 =	sne.s32 s16, $0x1E00;
	v13 =	vld [tilespmem:s15+$0x70];
	v2 =	vadd.f32 v12, v2  }
0x1e: {  	v14 =	vld [tilespmem:s15+$0x0];
	v8 =	vadd.f32 v11, v8  }
0x1f: {  	v15 =	vld [tilespmem:s15+$0x10];
	v9 =	vadd.f32 v4, v9  }
.Ltmp0:
0x20: {  	v12 =	vld [tilespmem:s15+$0x20];
	v3 =	vadd.f32 v5, v3;
	(pc) =	sbr.rel @p0 .LBB2_2-.Ltmp0, $4  }
0x21: {  	v11 =	vld [tilespmem:s15+$0x30];
	v1 =	vadd.f32 v6, v1  }
0x22: {  	v4 =	vld [tilespmem:s15+$0x40];
	v0 =	vadd.f32 v13, v0  }
0x23: {  	v7 =	vadd.f32 v14, v7;
	v5 =	vld [tilespmem:s15+$0x50]  }
0x24: {  	v10 =	vadd.f32 v15, v10;
	v6 =	vld [tilespmem:s15+$0x60];
	s15 =	sshra.s32 s16, $0x2;
	s16 =	sadd.s32 $0x200, s16  }
0x25: {  	v13 =	vld [tilespmem:s15+$0x0]  }
0x26: {  	v14 =	vld [tilespmem:s15+$0x10];
	_ =	sdelay $0x1  }
0x27: {  	v15 =	vld [tilespmem:s15+$0x20];
	_ =	sdelay $0x1  }
0x28: {  	v2 =	vadd.f32 v12, v2;
	v62 =	vld [tilespmem:s15+$0x30]  }
0x29: {  	v7 =	vadd.f32 v13, v7;
	v10 =	vadd.f32 v14, v10  }
0x2a: {  	v8 =	vadd.f32 v11, v8;
	v11 =	vld [tilespmem:s15+$0x40]  }
0x2b: {  	v2 =	vadd.f32 v15, v2;
	v7 =	vadd.f32 v10, v7  }
0x2c: {  	v4 =	vadd.f32 v4, v9;
	v9 =	vld [tilespmem:s15+$0x50]  }
0x2d: {  	v8 =	vadd.f32 v62, v8;
	v2 =	vadd.f32 v2, v7  }
0x2e: {  	v3 =	vadd.f32 v5, v3;
	v5 =	vld [tilespmem:s15+$0x60]  }
0x2f: {  	v4 =	vadd.f32 v11, v4;
	v2 =	vadd.f32 v8, v2  }
0x30: {  	v1 =	vadd.f32 v6, v1;
	v7 =	vld [tilespmem:s15+$0x70]  }
0x31: {  	v3 =	vadd.f32 v9, v3;
	v2 =	vadd.f32 v4, v2;
	_ =	sdelay $0x1  }
0x32: {  	v1 =	vadd.f32 v5, v1;
	v2 =	vadd.f32 v3, v2;
	_ =	sdelay $0x1  }
0x33: {  	v0 =	vadd.f32 v7, v0;
	v1 =	vadd.f32 v1, v2;
	_ =	sdelay $0x1  }
0x34: {  	v0 =	vadd.f32 v0, v1;
	_ =	sdelay $0x1  }
0x35: {  	(xrf2) =	vadd.scan.msk.f32 $0xffff, v0;
	_ =	sdelay $0x9  }
0x36: {  	v0, _, _ =	vpop (xrf2)  }
0x37: {  	(v2sf) =	vpush v0, $0xF;
	_ =	sdelay $0xe  }
0x38: {  	s22 =	spop (v2sf)  }
0x39: {  	_ =	swait.ge [sflag:s12], $0x800  }
0x3a: {  	[sflag:s12] =	ssyncset.done $0x0  }
0x3b: {  	s16 =	simm.s32 $0x880;
	[sflag:s12] =	ssyncadd.s32 $0xFFFFF800  }
0x3c: {  	v0 =	vld [tilespmem:s16+$0xFFFFFF90]  }
0x3d: {  	v1 =	vld [tilespmem:s16+$0xFFFFFF80];
	_ =	sdelay $0x3  }
0x3e: {  	(xrf2) =	vadd.scan.msk.f32 $0xffff, v0;
	v0 =	vld [tilespmem:s16+$0xFFFFFFA0]  }
0x3f: {  	(xrf2) =	vadd.scan.msk.f32 $0xffff, v1;
	v1 =	vld [tilespmem:s16+$0xFFFFFFD0]  }
0x40: {  	v2 =	vld [tilespmem:s16+$0xFFFFFFB0];
	_ =	sdelay $0x1  }
0x41: {  	v3 =	vld [tilespmem:s16+$0xFFFFFFC0]  }
0x42: {  	(xrf2) =	vadd.scan.msk.f32 $0xffff, v0  }
0x43: {  	(xrf2) =	vadd.scan.msk.f32 $0xffff, v1  }
0x44: {  	(xrf2) =	vadd.scan.msk.f32 $0xffff, v2;
	_ =	sdelay $0x1  }
0x45: {  	v0 =	vld [tilespmem:s16+$0x10];
	(xrf2) =	vadd.scan.msk.f32 $0xffff, v3  }
0x46: {  	v1 =	vld [tilespmem:s16+$0xFFFFFFF0];
	v4, _, _ =	vpop (xrf2)  }
0x47: {  	v2 =	vld [tilespmem:s16+$0xFFFFFFE0];
	v5, _, _ =	vpop (xrf2)  }
0x48: {  	(v2sf) =	vpush v5, $0xF;
	_ =	sdelay $0x1  }
0x49: {  	(xrf2) =	vadd.scan.msk.f32 $0xffff, v0;
	v0 =	vld [tilespmem:s16+$0x0];
	(v2sf) =	vpush v4, $0xF  }
0x4a: {  	(xrf2) =	vadd.scan.msk.f32 $0xffff, v1;
	v1, _, _ =	vpop (xrf2)  }
0x4b: {  	(xrf2) =	vadd.scan.msk.f32 $0xffff, v2;
	v2, _, _ =	vpop (xrf2);
	(v2sf) =	vpush v1, $0xF  }
0x4c: {  	v6, _, _ =	vpop (xrf2)  }
0x4d: {  	(v2sf) =	vpush v6, $0xF  }
0x4e: {  	(xrf2) =	vadd.scan.msk.f32 $0xffff, v0;
	v0, _, _ =	vpop (xrf2)  }
0x4f: {  	(v2sf) =	vpush v0, $0xF;
	_ =	sdelay $0x1  }
0x50: {  	v3 =	vld [tilespmem:s16+$0x20];
	(v2sf) =	vpush v2, $0xF;
	_ =	sdelay $0x1  }
0x51: {  	s15 =	smul.f32 s6, s22  }
0x52: {  	v10 =	vld [tilespmem:s16+$0x30]  }
0x53: {  	s15 =	sadd.f32 $-1.000000000e+00, s15  }
0x54: {  	v11 =	vld [tilespmem:s16+$0x40];
	(xrf2) =	vadd.scan.msk.f32 $0xffff, v3;
	s17 =	spop (v2sf)  }
0x55: {  	v5 =	vadd.f32 s15, v5;
	v7, _, _ =	vpop (xrf2);
	s17 =	sadd.f32 s17, s15  }
0x56: {  	v8, _, _ =	vpop (xrf2);
	s18 =	spop (v2sf)  }
0x57: {  	[tilespmem:s16+$0xFFFFFF80] =	vst v5;
	v5 =	vld [tilespmem:s16+$0x50];
	(xrf2) =	vadd.scan.msk.f32 $0xffff, v10;
	v3, _, _ =	vpop (xrf2);
	s18 =	sadd.f32 s18, s17;
	v4 =	vadd.f32 s17, v4  }
0x58: {  	(v2sf) =	vpush v3, $0xF;
	s23 =	spop (v2sf)  }
0x59: {  	(xrf2) =	vadd.scan.msk.f32 $0xffff, v11;
	(v2sf) =	vpush v8, $0xF;
	v9, _, _ =	vpop (xrf2);
	v1 =	vadd.f32 s18, v1;
	[tilespmem:s16+$0xFFFFFF90] =	vst v4;
	v4 =	vld [tilespmem:s16+$0x60];
	s17 =	sadd.f32 s23, s18  }
0x5a: {  	(v2sf) =	vpush v9, $0xF;
	s24 =	spop (v2sf)  }
0x5b: {  	s15 =	simm.s32 $0x980;
	[tilespmem:s16+$0xFFFFFFA0] =	vst v1;
	v1 =	vld [tilespmem:s16+$0x70];
	s18 =	sadd.f32 s24, s17  }
0x5c: {  	(xrf2) =	vadd.scan.msk.f32 $0xffff, v5;
	v5 =	vadd.f32 s17, v6;
	s25 =	spop (v2sf);
	v10 =	vld [tilespmem:s15+$0xFFFFFF90]  }
0x5d: {  	v0 =	vadd.f32 s18, v0;
	s17 =	sadd.f32 s25, s18  }
0x5e: {  	v63, _, _ =	vpop (xrf2);
	(v2sf) =	vpush v7, $0xF;
	s26 =	spop (v2sf);
	(xrf2) =	vadd.scan.msk.f32 $0xffff, v4;
	v4 =	vld [tilespmem:s15+$0xFFFFFF80];
	[tilespmem:s16+$0xFFFFFFB0] =	vst v5  }
0x5f: {  	[tilespmem:s16+$0xFFFFFFC0] =	vst v0;
	s18 =	sadd.f32 s26, s17;
	v0 =	vadd.f32 s17, v2  }
0x60: {  	(v2sf) =	vpush v63, $0xF;
	(xrf2) =	vadd.scan.msk.f32 $0xffff, v1;
	v5 =	vld [tilespmem:s15+$0xFFFFFFA0]  }
0x61: {  	(xrf2) =	vadd.scan.msk.f32 $0xffff, v10;
	v10 =	vld [tilespmem:s15+$0xFFFFFFB0];
	[tilespmem:s16+$0xFFFFFFD0] =	vst v0;
	v0 =	vadd.f32 s18, v3;
	v3, _, _ =	vpop (xrf2)  }
0x62: {  	(v2sf) =	vpush v3, $0xF  }
0x63: {  	v2, _, _ =	vpop (xrf2)  }
0x64: {  	(v2sf) =	vpush v2, $0xF;
	_ =	sdelay $0x2  }
0x65: {  	s28 =	spop (v2sf);
	v6, _, _ =	vpop (xrf2);
	(xrf2) =	vadd.scan.msk.f32 $0xffff, v4  }
0x66: {  	s17 =	sadd.f32 s28, s18;
	s29 =	spop (v2sf);
	v11 =	vld [tilespmem:s15+$0xFFFFFFD0];
	(v2sf) =	vpush v6, $0xF;
	v4, _, _ =	vpop (xrf2)  }
0x67: {  	s30 =	spop (v2sf);
	(v2sf) =	vpush v4, $0xF  }
0x68: {  	s18 =	sadd.f32 s29, s17;
	(xrf2) =	vadd.scan.msk.f32 $0xffff, v5  }
0x69: {  	[tilespmem:s16+$0xFFFFFFE0] =	vst v0;
	v0 =	vadd.f32 s17, v8;
	v5, _, _ =	vpop (xrf2)  }
0x6a: {  	v8 =	vadd.f32 s18, v9;
	s17 =	sadd.f32 s30, s18;
	(v2sf) =	vpush v5, $0xF  }
0x6b: {  	v1 =	vld [tilespmem:s15+$0xFFFFFFE0];
	[tilespmem:s16+$0xFFFFFFF0] =	vst v0;
	s31 =	spop (v2sf);
	(xrf2) =	vadd.scan.msk.f32 $0xffff, v11  }
0x6c: {  	[tilespmem:s16+$0x0] =	vst v8;
	v9 =	vadd.f32 s17, v7;
	s18 =	sadd.f32 s31, s17;
	v8 =	vld [tilespmem:s15+$0xFFFFFFC0]  }
0x6d: {  	s19 =	spop (v2sf)  }
0x6e: {  	s17 =	simm.s32 $0x10;
	v7 =	vld [tilespmem:s15+$0xFFFFFFF0];
	(xrf2) =	vadd.scan.msk.f32 $0xffff, v10;
	[tilespmem:s16+$0x10] =	vst v9;
	v9 =	vadd.f32 s18, v63;
	s18 =	sadd.f32 s19, s18;
	v0, _, _ =	vpop (xrf2)  }
.LBB2_4:
0x6f: {  	s17 =	sadd.s32 $0x10, s17;
	v10 =	vld [tilespmem:s15+$0x10];
	v11, _, _ =	vpop (xrf2);
	s19 =	spop (v2sf)  }
0x70: {  	p0 =	slt.u32 s17, $0x70;
	(v2sf) =	vpush v11, $0xF;
	[tilespmem:s16+$0x20] =	vst v9;
	v3 =	vadd.f32 s18, v3;
	s18 =	sadd.f32 s19, s18  }
0x71: {  	(v2sf) =	vpush v0, $0xF;
	(xrf2) =	vadd.scan.msk.f32 $0xffff, v8;
	s19 =	spop (v2sf)  }
0x72: {  	v8, _, _ =	vpop (xrf2);
	[tilespmem:s16+$0x30] =	vst v3;
	v2 =	vadd.f32 s18, v2;
	s18 =	sadd.f32 s19, s18;
	_ =	sdelay $0x1  }
0x73: {  	(xrf2) =	vadd.scan.msk.f32 $0xffff, v10;
	[tilespmem:s16+$0x40] =	vst v2;
	v2 =	vadd.f32 s18, v6  }
0x74: {  	v6, _, _ =	vpop (xrf2);
	s19 =	spop (v2sf)  }
0x75: {  	v3 =	vld [tilespmem:s15+$0x0];
	(v2sf) =	vpush v8, $0xF;
	[tilespmem:s16+$0x50] =	vst v2;
	s18 =	sadd.f32 s19, s18;
	s19 =	spop (v2sf)  }
0x76: {  	(xrf2) =	vadd.scan.msk.f32 $0xffff, v7  }
0x77: {  	v2, _, _ =	vpop (xrf2);
	v9 =	vadd.f32 s18, v4;
	s18 =	sadd.f32 s19, s18  }
0x78: {  	s19 =	spop (v2sf)  }
0x79: {  	v7 =	vld [tilespmem:s15+$0x20];
	(v2sf) =	vpush v2, $0xF;
	(xrf2) =	vadd.scan.msk.f32 $0xffff, v1;
	[tilespmem:s16+$0x60] =	vst v9;
	v1 =	vadd.f32 s18, v5;
	s18 =	sadd.f32 s19, s18  }
0x7a: {  	v4, _, _ =	vpop (xrf2)  }
0x7b: {  	v5 =	vadd.f32 s18, v11;
	v9 =	vld [tilespmem:s15+$0x30];
	[tilespmem:s16+$0x70] =	vst v1;
	s16 =	smov.u32 s15  }
0x7c: {  	(xrf2) =	vadd.scan.msk.f32 $0xffff, v3  }
0x7d: {  	[tilespmem:s15+$0xFFFFFF80] =	vst v5;
	v10, _, _ =	vpop (xrf2)  }
0x7e: {  	s19 =	spop (v2sf)  }
0x7f: {  	s18 =	sadd.f32 s19, s18;
	v1 =	vld [tilespmem:s15+$0x40];
	s19 =	spop (v2sf);
	(v2sf) =	vpush v4, $0xF;
	(xrf2) =	vadd.scan.msk.f32 $0xffff, v7  }
0x80: {  	v5, _, _ =	vpop (xrf2)  }
0x81: {  	v0 =	vadd.f32 s18, v0;
	s18 =	sadd.f32 s19, s18;
	v3 =	vld [tilespmem:s15+$0x50];
	(v2sf) =	vpush v6, $0xF  }
0x82: {  	s15 =	sadd.s32 $0x100, s15;
	(xrf2) =	vadd.scan.msk.f32 $0xffff, v9  }
0x83: {  	[tilespmem:s16+$0xFFFFFF90] =	vst v0;
	v0 =	vadd.f32 s18, v8;
	v7 =	vld [tilespmem:s16+$0x60];
	v8, _, _ =	vpop (xrf2)  }
0x84: {  	s19 =	spop (v2sf)  }
0x85: {  	[tilespmem:s16+$0xFFFFFFA0] =	vst v0;
	(v2sf) =	vpush v8, $0xF;
	(xrf2) =	vadd.scan.msk.f32 $0xffff, v1  }
0x86: {  	v0 =	vld [tilespmem:s15+$0xFFFFFF90];
	(v2sf) =	vpush v5, $0xF;
	v9, _, _ =	vpop (xrf2);
	_ =	sdelay $0x1  }
0x87: {  	s20 =	spop (v2sf);
	(v2sf) =	vpush v9, $0xF;
	(xrf2) =	vadd.scan.msk.f32 $0xffff, v3  }
0x88: {  	v1 =	vld [tilespmem:s16+$0x70];
	v11, _, _ =	vpop (xrf2);
	_ =	sdelay $0x1  }
0x89: {  	s18 =	sadd.f32 s19, s18;
	(v2sf) =	vpush v10, $0xF;
	(xrf2) =	vadd.scan.msk.f32 $0xffff, v7  }
0x8a: {  	v3, _, _ =	vpop (xrf2)  }
0x8b: {  	v12 =	vadd.f32 s18, v2;
	s18 =	sadd.f32 s20, s18;
	(v2sf) =	vpush v11, $0xF  }
0x8c: {  	v7 =	vld [tilespmem:s15+$0xFFFFFF80];
	s19 =	spop (v2sf);
	(xrf2) =	vadd.scan.msk.f32 $0xffff, v1  }
0x8d: {  	v1 =	vadd.f32 s18, v4;
	[tilespmem:s16+$0xFFFFFFB0] =	vst v12;
	s18 =	sadd.f32 s19, s18;
	(v2sf) =	vpush v3, $0xF;
	v2, _, _ =	vpop (xrf2)  }
0x8e: {  	s19 =	spop (v2sf)  }
0x8f: {  	(xrf2) =	vadd.scan.msk.f32 $0xffff, v0;
	[tilespmem:s16+$0xFFFFFFC0] =	vst v1;
	v0 =	vadd.f32 s18, v6;
	s18 =	sadd.f32 s19, s18;
	(v2sf) =	vpush v2, $0xF  }
0x90: {  	v12 =	vld [tilespmem:s15+$0xFFFFFFA0];
	v6, _, _ =	vpop (xrf2)  }
0x91: {  	v13 =	vld [tilespmem:s15+$0xFFFFFFB0];
	[tilespmem:s16+$0xFFFFFFD0] =	vst v0;
	v0 =	vadd.f32 s18, v8  }
0x92: {  	v8 =	vld [tilespmem:s15+$0xFFFFFFD0];
	(xrf2) =	vadd.scan.msk.f32 $0xffff, v7;
	s19 =	spop (v2sf)  }
0x93: {  	[tilespmem:s16+$0xFFFFFFE0] =	vst v0;
	s18 =	sadd.f32 s19, s18;
	s19 =	spop (v2sf);
	(v2sf) =	vpush v6, $0xF;
	v4, _, _ =	vpop (xrf2)  }
0x94: {  	(v2sf) =	vpush v4, $0xF  }
0x95: {  	v1 =	vld [tilespmem:s15+$0xFFFFFFE0];
	(xrf2) =	vadd.scan.msk.f32 $0xffff, v12;
	v0 =	vadd.f32 s18, v5;
	s18 =	sadd.f32 s19, s18;
	s19 =	spop (v2sf)  }
0x96: {  	v5, _, _ =	vpop (xrf2)  }
.Ltmp1:
0x97: {  	[tilespmem:s16+$0xFFFFFFF0] =	vst v0;
	v7 =	vadd.f32 s18, v9;
	s18 =	sadd.f32 s19, s18;
	(v2sf) =	vpush v5, $0xF;
	(pc) =	sbr.rel @p0 .LBB2_4-.Ltmp1, $4  }
0x98: {  	(xrf2) =	vadd.scan.msk.f32 $0xffff, v8;
	s19 =	spop (v2sf)  }
0x99: {  	v8 =	vld [tilespmem:s15+$0xFFFFFFC0];
	v0, _, _ =	vpop (xrf2);
	[tilespmem:s16+$0x0] =	vst v7;
	v9 =	vadd.f32 s18, v10;
	s18 =	sadd.f32 s19, s18  }
0x9a: {  	v7 =	vld [tilespmem:s15+$0xFFFFFFF0];
	s19 =	spop (v2sf)  }
0x9b: {  	(xrf2) =	vadd.scan.msk.f32 $0xffff, v13;
	[tilespmem:s16+$0x10] =	vst v9;
	v9 =	vadd.f32 s18, v11;
	s18 =	sadd.f32 s19, s18  }
0x9c: {  	v10 =	vld [tilespmem:s15+$0x10];
	_ =	sdelay $0x1  }
0x9d: {  	s17 =	spop (v2sf)  }
0x9e: {  	v3 =	vadd.f32 s18, v3;
	s17 =	sadd.f32 s17, s18;
	(xrf2) =	vadd.scan.msk.f32 $0xffff, v8  }
0x9f: {  	[tilespmem:s16+$0x20] =	vst v9;
	s24 =	spop (v2sf)  }
0xa0: {  	v35, _, _ =	vpop (xrf2);
	[tilespmem:s16+$0x30] =	vst v3;
	s18 =	sadd.f32 s24, s17;
	(xrf2) =	vadd.scan.msk.f32 $0xffff, v10  }
0xa1: {  	(v2sf) =	vpush v35, $0xF;
	v2 =	vadd.f32 s17, v2;
	v3 =	vld [tilespmem:s15+$0x0];
	s25 =	spop (v2sf);
	(xrf2) =	vadd.scan.msk.f32 $0xffff, v7  }
0xa2: {  	v6 =	vadd.f32 s18, v6;
	s17 =	sadd.f32 s25, s18;
	(xrf2) =	vadd.scan.msk.f32 $0xffff, v1  }
0xa3: {  	[tilespmem:s16+$0x40] =	vst v2;
	(v2sf) =	vpush v0, $0xF;
	s26 =	spop (v2sf)  }
0xa4: {  	v36, _, _ =	vpop (xrf2);
	[tilespmem:s16+$0x50] =	vst v6;
	v37 =	vadd.f32 s17, v4;
	s17 =	sadd.f32 s26, s17  }
0xa5: {  	v38, _, _ =	vpop (xrf2);
	(v2sf) =	vpush v36, $0xF;
	v6 =	vld [tilespmem:s15+$0x20]  }
0xa6: {  	v39, _, _ =	vpop (xrf2);
	(xrf2) =	vadd.scan.msk.f32 $0xffff, v3;
	[tilespmem:s16+$0x60] =	vst v37;
	v40 =	vadd.f32 s17, v5  }
0xa7: {  	(v2sf) =	vpush v39, $0xF;
	v41 =	vld [tilespmem:s15+$0x30]  }
0xa8: {  	v42, _, _ =	vpop (xrf2);
	[tilespmem:s16+$0x70] =	vst v40  }
0xa9: {  	(v2sf) =	vpush v42, $0xF;
	v2 =	vld [tilespmem:s15+$0x40]  }
0xaa: {  	(xrf2) =	vadd.scan.msk.f32 $0xffff, v6;
	v43, _, _ =	vpop (xrf2)  }
0xab: {  	v45 =	vld [tilespmem:s15+$0x50];
	(v2sf) =	vpush v38, $0xF;
	v44, _, _ =	vpop (xrf2)  }
0xac: {  	(xrf2) =	vadd.scan.msk.f32 $0xffff, v41;
	v46, _, _ =	vpop (xrf2)  }
0xad: {  	v11 =	vld [tilespmem:s15+$0x60];
	(v2sf) =	vpush v46, $0xF  }
0xae: {  	s28 =	spop (v2sf);
	(xrf2) =	vadd.scan.msk.f32 $0xffff, v2  }
0xaf: {  	s16 =	sadd.f32 s28, s17;
	(v2sf) =	vpush v44, $0xF  }
0xb0: {  	s29 =	spop (v2sf);
	v47, _, _ =	vpop (xrf2);
	(xrf2) =	vadd.scan.msk.f32 $0xffff, v45  }
0xb1: {  	s17 =	sadd.f32 s29, s16;
	(v2sf) =	vpush v47, $0xF  }
0xb2: {  	v48 =	vld [tilespmem:s15+$0x70];
	s30 =	spop (v2sf);
	(xrf2) =	vadd.scan.msk.f32 $0xffff, v11  }
0xb3: {  	(v2sf) =	vpush v43, $0xF;
	s18 =	sadd.f32 s30, s17  }
0xb4: {  	s19 =	spop (v2sf);
	v49, _, _ =	vpop (xrf2)  }
0xb5: {  	s19 =	sadd.f32 s19, s18;
	(v2sf) =	vpush v49, $0xF  }
0xb6: {  	s20 =	spop (v2sf);
	v12, _, _ =	vpop (xrf2)  }
0xb7: {  	(xrf2) =	vadd.scan.msk.f32 $0xffff, v48;
	s20 =	sadd.f32 s20, s19;
	(v2sf) =	vpush v12, $0xF  }
0xb8: {  	s21 =	spop (v2sf);
	v50, _, _ =	vpop (xrf2)  }
0xb9: {  	s21 =	sadd.f32 s21, s20;
	(v2sf) =	vpush v50, $0xF  }
0xba: {  	s22 =	spop (v2sf);
	v13, _, _ =	vpop (xrf2)  }
0xbb: {  	s22 =	sadd.f32 s22, s21;
	(v2sf) =	vpush v13, $0xF  }
0xbc: {  	v14, _, _ =	vpop (xrf2);
	s23 =	spop (v2sf)  }
0xbd: {  	(v2sf) =	vpush v14, $0xF;
	s23 =	sadd.f32 s23, s22  }
0xbe: {  	s24 =	spop (v2sf)  }
0xbf: {  	s24 =	sadd.f32 s24, s23  }
0xc0: {  	v8 =	vadd.f32 s16, v35;
	s31 =	spop (v2sf)  }
0xc1: {  	v51 =	vadd.f32 s17, v0;
	v15, _, _ =	vpop (xrf2);
	s16 =	sadd.f32 s31, s24  }
0xc2: {  	[tilespmem:s15+$0xFFFFFF80] =	vst v8;
	v1 =	vadd.f32 s18, v36;
	(v2sf) =	vpush v15, $0xF;
	s18 =	spop (v2sf)  }
0xc3: {  	[tilespmem:s15+$0xFFFFFF90] =	vst v51;
	v7 =	vadd.f32 s19, v39;
	s17 =	sadd.f32 s18, s16  }
0xc4: {  	[tilespmem:s15+$0xFFFFFFA0] =	vst v1;
	v52 =	vadd.f32 s20, v42;
	s20 =	spop (v2sf)  }
0xc5: {  	[tilespmem:s15+$0xFFFFFFB0] =	vst v7;
	v53 =	vadd.f32 s21, v38;
	s18 =	sadd.f32 s20, s17  }
0xc6: {  	[tilespmem:s15+$0xFFFFFFC0] =	vst v52;
	v54 =	vadd.f32 s22, v46;
	s22 =	spop (v2sf)  }
0xc7: {  	[tilespmem:s15+$0xFFFFFFD0] =	vst v53;
	v55 =	vadd.f32 s23, v44;
	s19 =	sadd.f32 s22, s18  }
0xc8: {  	[tilespmem:s15+$0xFFFFFFE0] =	vst v54;
	v56 =	vadd.f32 s24, v47;
	s25 =	spop (v2sf)  }
0xc9: {  	[tilespmem:s15+$0xFFFFFFF0] =	vst v55;
	v57 =	vadd.f32 s16, v43;
	s26 =	sadd.f32 s25, s19  }
0xca: {  	[tilespmem:s15+$0x0] =	vst v56;
	v58 =	vadd.f32 s17, v49;
	s28 =	spop (v2sf)  }
0xcb: {  	[tilespmem:s15+$0x10] =	vst v57;
	v59 =	vadd.f32 s18, v12;
	s17 =	sadd.f32 s28, s26  }
0xcc: {  	[tilespmem:s15+$0x20] =	vst v58;
	v60 =	vadd.f32 s19, v50;
	s29 =	spop (v2sf)  }
0xcd: {  	[tilespmem:s15+$0x30] =	vst v59;
	v61 =	vadd.f32 s26, v13;
	s30 =	sadd.f32 s29, s17  }
0xce: {  	[tilespmem:s15+$0x40] =	vst v60;
	v62 =	vadd.f32 s17, v14  }
0xcf: {  	s14 =	sadd.s32 $0x1, s14;
	[tilespmem:s15+$0x50] =	vst v61;
	v63 =	vadd.f32 s30, v15  }
0xd0: {  	p0 =	sne.s32 s14, s8;
	[tilespmem:s15+$0x60] =	vst v62  }
.Ltmp2:
0xd1: {  	s31 =	spop (v2sf);
	[tilespmem:s15+$0x70] =	vst v63;
	(pc) =	sbr.rel @p0 .LBB2_1-.Ltmp2, $4  }
0xd2: {  	[hbm4b:s7+s9] =	stream.strided.scatter [tilespmem:s11], [sflag:$0x3], $0x800, s10, s9, $0x38;
	[tilespmem:$0x1000] =	vst v63  }
0xd3: {  	_ =	swait.ge [sflag:s13], $0x800  }
0xd4: {  	[sflag:s13] =	ssyncset.done $0x0  }
0xd5: {  	[sflag:s13] =	ssyncadd.s32 $0xFFFFF800  }
0xd6: {  	_ =	sfence.sel $0x180000  }
0xd7: {  	[bflag:$0x0] =	sbarrier.arrive $0xFFFF  }
0xd8: {  	p0 =	sne.s32 s0, $0x0;
	_ =	strace $0x90000047  }
0xd9: {  	s0 =	sadd.s32 @!p0 $0x100000, s1;
	[bflag:$0x2] =	sbarrier.arrive $0xFFFF  }
0xda: {  	[sflag:s0] =	ssyncadd.tile.s32 @!p0 $0x1;
	_ =	shalt  }
.Lfunc_end2:
_tile_overlayer_lowered:
.L_overlay_start_2:
0xdb: {  	(tag) =	ssettag $0x2  }
0xdc: {  	s0 =	rddreg [dreg:$0x0];
	s2 =	stileid.u32  }
0xdd: {  	s1 =	rddreg [dreg:$0x1];
	p0 =	sne.s32 s2, $0x0  }
0xde: {  	s3 =	rddreg [dreg:$0x2];
	[bflag:$0x3] =	sbarrier.arrive $0xFFFF;
	s2 =	simm.s32 @!p0 $0x1C03  }
0xdf: {  	[timem:s3], [sflag:s2] =	dma.local @!p0 [hbm:s0], s1  }
0xe0: {  	s0 =	simm.s32 @!p0 $0x3  }
0xe1: {  	_ =	swait.ge @!p0 [sflag:s0], s1  }
0xe2: {  	s1 =	ssub.s32 @!p0 $0x0, s1;
	[sflag:s0] =	ssyncset.done @!p0 $0x0  }
0xe3: {  	[sflag:s0] =	ssyncadd.s32 @!p0 s1  }
0xe4: {  	[bflag:$0x3] =	sbarrier.arrive $0xFFFF  }
0xe5: {  	_ =	shalt  }

</sc_bundles>
